<compile_context>
chip_gen: v7x
topology: tpu7x:2x2x1
jax: 0.10.2.dev20260603
libtpu: 0.0.44.dev20260713+nightly
codegen_flags: <defaults>
</compile_context>

<pallas_src>
import functools

import jax
import jax.numpy as jnp
from jax import lax
from jax.experimental import pallas as pl
from jax.experimental.pallas import tpu as pltpu
from jax.experimental.pallas import tpu_sc as plsc

_NUM_Q = 100000
_D = 200
_B = 4096
_L = 50
_N = _B * _L
_DB = _D - 128

_info = plsc.get_sparse_core_info()
_NC = _info.num_cores
_NS = _info.num_subcores
_NW = _NC * _NS
_CH = 128
_NBUF = 3
_PER_W = _N // _NW
_STEPS = _PER_W // _CH
_GROUPS = _STEPS // _NBUF
_TAIL = _STEPS - _GROUPS * _NBUF

_mesh = plsc.VectorSubcoreMesh(core_axis_name="c", subcore_axis_name="s")


@functools.partial(
    pl.kernel,
    out_type=(
        jax.ShapeDtypeStruct((_N, 128), jnp.float32),
        jax.ShapeDtypeStruct((_N, 128), jnp.float32),
    ),
    mesh=_mesh,
    scratch_types=[
        pltpu.VMEM((1, _STEPS, _CH), jnp.int32),
        pltpu.VMEM((_CH, 128), jnp.float32),
        pltpu.VMEM((_CH, 128), jnp.float32),
        pltpu.VMEM((_CH, 128), jnp.float32),
        pltpu.VMEM((_CH, 128), jnp.float32),
        pltpu.VMEM((_CH, 128), jnp.float32),
        pltpu.VMEM((_CH, 128), jnp.float32),
        pltpu.SemaphoreType.DMA,
        pltpu.SemaphoreType.DMA,
        pltpu.SemaphoreType.DMA,
        pltpu.SemaphoreType.DMA,
        pltpu.SemaphoreType.DMA,
        pltpu.SemaphoreType.DMA,
    ],
    compiler_params=pltpu.CompilerParams(use_tc_tiling_on_sc=False),
)
def _gather(tbla_hbm, tblb_hbm, idx_hbm, outa_hbm, outb_hbm, idx_v,
            a0, a1, a2, b0, b1, b2, g0, g1, g2, s0, s1, s2):
    bufa = (a0, a1, a2)
    bufb = (b0, b1, b2)
    gsem = (g0, g1, g2)
    ssem = (s0, s1, s2)
    wid = lax.axis_index("s") * _NC + lax.axis_index("c")
    base = wid * _PER_W
    pltpu.sync_copy(idx_hbm.at[pl.ds(wid, 1)], idx_v)

    def start_gathers(j, b):
        isl = idx_v.at[0, j]
        pltpu.async_copy(tbla_hbm.at[isl], bufa[b], gsem[b])
        pltpu.async_copy(tblb_hbm.at[isl], bufb[b], gsem[b])

    def wait_gathers(b):
        pltpu.make_async_copy(tbla_hbm.at[pl.ds(0, _CH)], bufa[b],
                              gsem[b]).wait()
        pltpu.make_async_copy(tblb_hbm.at[pl.ds(0, _CH)], bufb[b],
                              gsem[b]).wait()

    def start_stores(j, b):
        off = base + j * _CH
        pltpu.async_copy(bufa[b], outa_hbm.at[pl.ds(off, _CH)], ssem[b])
        pltpu.async_copy(bufb[b], outb_hbm.at[pl.ds(off, _CH)], ssem[b])

    def wait_stores(b):
        pltpu.make_async_copy(bufa[b], outa_hbm.at[pl.ds(0, _CH)],
                              ssem[b]).wait()
        pltpu.make_async_copy(bufb[b], outb_hbm.at[pl.ds(0, _CH)],
                              ssem[b]).wait()

    for b in range(_NBUF):
        start_gathers(b, b)

    def group(g, carry):
        j0 = g * _NBUF
        for b in range(_NBUF):
            wait_gathers(b)
            start_stores(j0 + b, b)

            @pl.when(j0 + b + _NBUF < _STEPS)
            def _():
                wait_stores(b)
                start_gathers(j0 + b + _NBUF, b)
        return carry

    lax.fori_loop(0, _GROUPS, group, 0)
    for t in range(_TAIL):
        j = _GROUPS * _NBUF + t
        b = j % _NBUF
        wait_gathers(b)
        start_stores(j, b)
    for b in range(_NBUF):
        wait_stores(b)


def kernel(indices, table):
    tbla = table[:, :128]
    tblb = jnp.pad(table[:, 128:], ((0, 0), (0, 128 - _DB)))
    idx2 = indices.reshape(_NW, _STEPS, _CH)
    outa, outb = _gather(tbla, tblb, idx2)
    return jnp.concatenate([outa, outb[:, :_DB]], axis=1).reshape(
        _B, _L, _D)

# --- scband reference (transcript-rebuilt; emitter-appended) ---
"""Pipeline reference for scband-think-kt-20160576487867 (READ-ONLY COPY).

The authoritative reference and input builder live on the scoring server;
editing this copy changes nothing except your own understanding.
"""

import jax, jax.numpy as jnp
import numpy as np

NUM_Q = 100000
QID_DIM = 200
B = 4096
L = 50

def setup_inputs(seed: int = 0) -> dict:
    key = jax.random.key(seed)
    k1, k2 = jax.random.split(key)
    # question-id history indices (int32 to avoid x64 requirement on CPU jax)
    indices = jax.random.randint(k1, (B, L), 0, NUM_Q, dtype=jnp.int32)
    # learned parameter: QEmbs = nn.Embedding(num_q, qid_dim=200)
    table = jax.random.normal(k2, (NUM_Q, QID_DIM), dtype=jnp.float32)
    return {"indices": indices, "table": table}

def reference(indices, table):
    # Faithful translation of the module's embedding-lookup core:
    # q_emb = self.QEmbs(qids)  ->  gather rows of the embedding table
    q_emb = jnp.take(table, indices, axis=0)
    return q_emb

if __name__ == "__main__":
    import jax
    _d = setup_inputs()
    print(jax.jit(kernel)(*tuple(_d.values())))

</pallas_src>

<mosaic_0001>
#map = affine_map<(d0, d1) -> (0, 0)>
#map1 = affine_map<(d0, d1) -> (0, 0, 0)>
module attributes {stable_mosaic.version = 14 : i64} {
  func.func @_gather(%arg0: i32, %arg1: i32, %arg2: memref<100000x128xf32, #tpu.memory_space<hbm>>, %arg3: memref<100000x128xf32, #tpu.memory_space<hbm>>, %arg4: memref<32x50x128xi32, #tpu.memory_space<hbm>>, %arg5: memref<204800x128xf32, #tpu.memory_space<hbm>>, %arg6: memref<204800x128xf32, #tpu.memory_space<hbm>>, %arg7: memref<1x50x128xi32, #tpu.memory_space<vmem>>, %arg8: memref<128x128xf32, #tpu.memory_space<vmem>>, %arg9: memref<128x128xf32, #tpu.memory_space<vmem>>, %arg10: memref<128x128xf32, #tpu.memory_space<vmem>>, %arg11: memref<128x128xf32, #tpu.memory_space<vmem>>, %arg12: memref<128x128xf32, #tpu.memory_space<vmem>>, %arg13: memref<128x128xf32, #tpu.memory_space<vmem>>, %arg14: memref<!tpu.dma_semaphore, #tpu.memory_space<semaphore_mem>>, %arg15: memref<!tpu.dma_semaphore, #tpu.memory_space<semaphore_mem>>, %arg16: memref<!tpu.dma_semaphore, #tpu.memory_space<semaphore_mem>>, %arg17: memref<!tpu.dma_semaphore, #tpu.memory_space<semaphore_mem>>, %arg18: memref<!tpu.dma_semaphore, #tpu.memory_space<semaphore_mem>>, %arg19: memref<!tpu.dma_semaphore, #tpu.memory_space<semaphore_mem>>) attributes {dimension_semantics = [#tpu.dimension_semantics<core_parallel>, #tpu.dimension_semantics<subcore_parallel>], iteration_bounds = array<i64: 2, 16>, scalar_prefetch = 0 : i64, scratch_operands = 13 : i64, tpu.core_type = #tpu.core_type<sc_vector_subcore>, window_params = [{transform_indices = #map}, {transform_indices = #map}, {transform_indices = #map1}, {transform_indices = #map}, {transform_indices = #map}]} {
    %mul3A = arith.constant 2 : i32
    %mul3A_0 = arith.muli %arg1, %mul3A : i32
    %add3A = arith.addi %mul3A_0, %arg0 : i32
    %mul3A_1 = arith.constant 6400 : i32
    %mul3A_2 = arith.muli %add3A, %mul3A_1 : i32
    "tpu.region"() ({
      %run_scoped3A = tpu.sem_alloc : memref<!tpu.dma_semaphore, #tpu.memory_space<semaphore_mem>>
      %dma_start3A_134 = arith.constant 0 : i32
      %dma_start3A_135 = arith.constant 0 : i32
      %dma_start3A_136 = tpu.memref_slice %arg4[%add3A, %dma_start3A_134, %dma_start3A_135] : memref<32x50x128xi32, #tpu.memory_space<hbm>> -> memref<1x50x128xi32, #tpu.memory_space<hbm>>
      %dma_start3A_137 = arith.constant 0 : i32
      %dma_start3A_138 = arith.constant 0 : i32
      %dma_start3A_139 = tpu.memref_slice %arg4[%add3A, %dma_start3A_137, %dma_start3A_138] : memref<32x50x128xi32, #tpu.memory_space<hbm>> -> memref<1x50x128xi32, #tpu.memory_space<hbm>>
      tpu.enqueue_dma source(%dma_start3A_139 : memref<1x50x128xi32, #tpu.memory_space<hbm>>) target(%arg7 : memref<1x50x128xi32, #tpu.memory_space<vmem>>) target_semaphore(%run_scoped3A : memref<!tpu.dma_semaphore, #tpu.memory_space<semaphore_mem>>)
      %dma_wait3A_140 = arith.constant 0 : i32
      %dma_wait3A_141 = arith.constant 0 : i32
      %dma_wait3A_142 = tpu.memref_slice %arg4[%add3A, %dma_wait3A_140, %dma_wait3A_141] : memref<32x50x128xi32, #tpu.memory_space<hbm>> -> memref<1x50x128xi32, #tpu.memory_space<hbm>>
      %dma_wait3A_143 = arith.constant 0 : i32
      %dma_wait3A_144 = arith.constant 0 : i32
      %dma_wait3A_145 = tpu.memref_slice %arg4[%add3A, %dma_wait3A_143, %dma_wait3A_144] : memref<32x50x128xi32, #tpu.memory_space<hbm>> -> memref<1x50x128xi32, #tpu.memory_space<hbm>>
      tpu.wait_dma2 semaphore(%run_scoped3A : memref<!tpu.dma_semaphore, #tpu.memory_space<semaphore_mem>>) src(%dma_wait3A_145 : memref<1x50x128xi32, #tpu.memory_space<hbm>>) dst(%arg7 : memref<1x50x128xi32, #tpu.memory_space<vmem>>)
      tpu.yield
    }) : () -> ()
    %dma_start3A = arith.constant 0 : i32
    %dma_start3A_3 = arith.constant 0 : i32
    %dma_start3A_4 = arith.constant 0 : i32
    %dma_start3A_5 = tpu.memref_slice %arg7[%dma_start3A, %dma_start3A_3, %dma_start3A_4] : memref<1x50x128xi32, #tpu.memory_space<vmem>> -> memref<1x1x128xi32, #tpu.memory_space<vmem>>
    %dma_start3A_6 = tpu.memref_squeeze %dma_start3A_5 : memref<1x1x128xi32, #tpu.memory_space<vmem>> -> memref<128xi32, #tpu.memory_space<vmem>>
    %dma_start3A_7 = arith.constant 0 : i32
    %dma_start3A_8 = arith.constant 0 : i32
    %dma_start3A_9 = tpu.memref_slice %arg2[%dma_start3A_7, %dma_start3A_8] : memref<100000x128xf32, #tpu.memory_space<hbm>> -> memref<100000x128xf32, #tpu.memory_space<hbm>>
    tpu.enqueue_indirect_dma source(%dma_start3A_9 : memref<100000x128xf32, #tpu.memory_space<hbm>>) target(%arg8 : memref<128x128xf32, #tpu.memory_space<vmem>>) offsets(%dma_start3A_6 : memref<128xi32, #tpu.memory_space<vmem>>) semaphore(%arg14 : memref<!tpu.dma_semaphore, #tpu.memory_space<semaphore_mem>>)
    %dma_start3A_10 = arith.constant 0 : i32
    %dma_start3A_11 = arith.constant 0 : i32
    %dma_start3A_12 = arith.constant 0 : i32
    %dma_start3A_13 = tpu.memref_slice %arg7[%dma_start3A_10, %dma_start3A_11, %dma_start3A_12] : memref<1x50x128xi32, #tpu.memory_space<vmem>> -> memref<1x1x128xi32, #tpu.memory_space<vmem>>
    %dma_start3A_14 = tpu.memref_squeeze %dma_start3A_13 : memref<1x1x128xi32, #tpu.memory_space<vmem>> -> memref<128xi32, #tpu.memory_space<vmem>>
    %dma_start3A_15 = arith.constant 0 : i32
    %dma_start3A_16 = arith.constant 0 : i32
    %dma_start3A_17 = tpu.memref_slice %arg3[%dma_start3A_15, %dma_start3A_16] : memref<100000x128xf32, #tpu.memory_space<hbm>> -> memref<100000x128xf32, #tpu.memory_space<hbm>>
    tpu.enqueue_indirect_dma source(%dma_start3A_17 : memref<100000x128xf32, #tpu.memory_space<hbm>>) target(%arg11 : memref<128x128xf32, #tpu.memory_space<vmem>>) offsets(%dma_start3A_14 : memref<128xi32, #tpu.memory_space<vmem>>) semaphore(%arg14 : memref<!tpu.dma_semaphore, #tpu.memory_space<semaphore_mem>>)
    %dma_start3A_18 = arith.constant 0 : i32
    %dma_start3A_19 = arith.constant 1 : i32
    %dma_start3A_20 = arith.constant 0 : i32
    %dma_start3A_21 = tpu.memref_slice %arg7[%dma_start3A_18, %dma_start3A_19, %dma_start3A_20] : memref<1x50x128xi32, #tpu.memory_space<vmem>> -> memref<1x1x128xi32, #tpu.memory_space<vmem>>
    %dma_start3A_22 = tpu.memref_squeeze %dma_start3A_21 : memref<1x1x128xi32, #tpu.memory_space<vmem>> -> memref<128xi32, #tpu.memory_space<vmem>>
    %dma_start3A_23 = arith.constant 0 : i32
    %dma_start3A_24 = arith.constant 0 : i32
    %dma_start3A_25 = tpu.memref_slice %arg2[%dma_start3A_23, %dma_start3A_24] : memref<100000x128xf32, #tpu.memory_space<hbm>> -> memref<100000x128xf32, #tpu.memory_space<hbm>>
    tpu.enqueue_indirect_dma source(%dma_start3A_25 : memref<100000x128xf32, #tpu.memory_space<hbm>>) target(%arg9 : memref<128x128xf32, #tpu.memory_space<vmem>>) offsets(%dma_start3A_22 : memref<128xi32, #tpu.memory_space<vmem>>) semaphore(%arg15 : memref<!tpu.dma_semaphore, #tpu.memory_space<semaphore_mem>>)
    %dma_start3A_26 = arith.constant 0 : i32
    %dma_start3A_27 = arith.constant 1 : i32
    %dma_start3A_28 = arith.constant 0 : i32
    %dma_start3A_29 = tpu.memref_slice %arg7[%dma_start3A_26, %dma_start3A_27, %dma_start3A_28] : memref<1x50x128xi32, #tpu.memory_space<vmem>> -> memref<1x1x128xi32, #tpu.memory_space<vmem>>
    %dma_start3A_30 = tpu.memref_squeeze %dma_start3A_29 : memref<1x1x128xi32, #tpu.memory_space<vmem>> -> memref<128xi32, #tpu.memory_space<vmem>>
    %dma_start3A_31 = arith.constant 0 : i32
    %dma_start3A_32 = arith.constant 0 : i32
    %dma_start3A_33 = tpu.memref_slice %arg3[%dma_start3A_31, %dma_start3A_32] : memref<100000x128xf32, #tpu.memory_space<hbm>> -> memref<100000x128xf32, #tpu.memory_space<hbm>>
    tpu.enqueue_indirect_dma source(%dma_start3A_33 : memref<100000x128xf32, #tpu.memory_space<hbm>>) target(%arg12 : memref<128x128xf32, #tpu.memory_space<vmem>>) offsets(%dma_start3A_30 : memref<128xi32, #tpu.memory_space<vmem>>) semaphore(%arg15 : memref<!tpu.dma_semaphore, #tpu.memory_space<semaphore_mem>>)
    %dma_start3A_34 = arith.constant 0 : i32
    %dma_start3A_35 = arith.constant 2 : i32
    %dma_start3A_36 = arith.constant 0 : i32
    %dma_start3A_37 = tpu.memref_slice %arg7[%dma_start3A_34, %dma_start3A_35, %dma_start3A_36] : memref<1x50x128xi32, #tpu.memory_space<vmem>> -> memref<1x1x128xi32, #tpu.memory_space<vmem>>
    %dma_start3A_38 = tpu.memref_squeeze %dma_start3A_37 : memref<1x1x128xi32, #tpu.memory_space<vmem>> -> memref<128xi32, #tpu.memory_space<vmem>>
    %dma_start3A_39 = arith.constant 0 : i32
    %dma_start3A_40 = arith.constant 0 : i32
    %dma_start3A_41 = tpu.memref_slice %arg2[%dma_start3A_39, %dma_start3A_40] : memref<100000x128xf32, #tpu.memory_space<hbm>> -> memref<100000x128xf32, #tpu.memory_space<hbm>>
    tpu.enqueue_indirect_dma source(%dma_start3A_41 : memref<100000x128xf32, #tpu.memory_space<hbm>>) target(%arg10 : memref<128x128xf32, #tpu.memory_space<vmem>>) offsets(%dma_start3A_38 : memref<128xi32, #tpu.memory_space<vmem>>) semaphore(%arg16 : memref<!tpu.dma_semaphore, #tpu.memory_space<semaphore_mem>>)
    %dma_start3A_42 = arith.constant 0 : i32
    %dma_start3A_43 = arith.constant 2 : i32
    %dma_start3A_44 = arith.constant 0 : i32
    %dma_start3A_45 = tpu.memref_slice %arg7[%dma_start3A_42, %dma_start3A_43, %dma_start3A_44] : memref<1x50x128xi32, #tpu.memory_space<vmem>> -> memref<1x1x128xi32, #tpu.memory_space<vmem>>
    %dma_start3A_46 = tpu.memref_squeeze %dma_start3A_45 : memref<1x1x128xi32, #tpu.memory_space<vmem>> -> memref<128xi32, #tpu.memory_space<vmem>>
    %dma_start3A_47 = arith.constant 0 : i32
    %dma_start3A_48 = arith.constant 0 : i32
    %dma_start3A_49 = tpu.memref_slice %arg3[%dma_start3A_47, %dma_start3A_48] : memref<100000x128xf32, #tpu.memory_space<hbm>> -> memref<100000x128xf32, #tpu.memory_space<hbm>>
    tpu.enqueue_indirect_dma source(%dma_start3A_49 : memref<100000x128xf32, #tpu.memory_space<hbm>>) target(%arg13 : memref<128x128xf32, #tpu.memory_space<vmem>>) offsets(%dma_start3A_46 : memref<128xi32, #tpu.memory_space<vmem>>) semaphore(%arg16 : memref<!tpu.dma_semaphore, #tpu.memory_space<semaphore_mem>>)
    %scan3A = arith.constant 0 : i32
    %scan3A_50 = arith.constant 0 : i32
    %scan3A_51 = arith.constant 16 : i32
    %scan3A_52 = arith.addi %scan3A_50, %scan3A_51 : i32
    %scan3A_53 = arith.constant 1 : i32
    scf.for %scan3A_134 = %scan3A_50 to %scan3A_52 step %scan3A_53  : i32 {
      %mul3A_135 = arith.constant 3 : i32
      %mul3A_136 = arith.muli %scan3A_134, %mul3A_135 : i32
      %dma_wait3A_137 = arith.constant 0 : i32
      %dma_wait3A_138 = arith.constant 0 : i32
      %dma_wait3A_139 = tpu.memref_slice %arg2[%dma_wait3A_137, %dma_wait3A_138] : memref<100000x128xf32, #tpu.memory_space<hbm>> -> memref<128x128xf32, #tpu.memory_space<hbm>>
      %dma_wait3A_140 = arith.constant 0 : i32
      %dma_wait3A_141 = arith.constant 0 : i32
      %dma_wait3A_142 = tpu.memref_slice %arg2[%dma_wait3A_140, %dma_wait3A_141] : memref<100000x128xf32, #tpu.memory_space<hbm>> -> memref<128x128xf32, #tpu.memory_space<hbm>>
      tpu.wait_dma2 semaphore(%arg14 : memref<!tpu.dma_semaphore, #tpu.memory_space<semaphore_mem>>) src(%dma_wait3A_142 : memref<128x128xf32, #tpu.memory_space<hbm>>) dst(%arg8 : memref<128x128xf32, #tpu.memory_space<vmem>>)
      %dma_wait3A_143 = arith.constant 0 : i32
      %dma_wait3A_144 = arith.constant 0 : i32
      %dma_wait3A_145 = tpu.memref_slice %arg3[%dma_wait3A_143, %dma_wait3A_144] : memref<100000x128xf32, #tpu.memory_space<hbm>> -> memref<128x128xf32, #tpu.memory_space<hbm>>
      %dma_wait3A_146 = arith.constant 0 : i32
      %dma_wait3A_147 = arith.constant 0 : i32
      %dma_wait3A_148 = tpu.memref_slice %arg3[%dma_wait3A_146, %dma_wait3A_147] : memref<100000x128xf32, #tpu.memory_space<hbm>> -> memref<128x128xf32, #tpu.memory_space<hbm>>
      tpu.wait_dma2 semaphore(%arg14 : memref<!tpu.dma_semaphore, #tpu.memory_space<semaphore_mem>>) src(%dma_wait3A_148 : memref<128x128xf32, #tpu.memory_space<hbm>>) dst(%arg11 : memref<128x128xf32, #tpu.memory_space<vmem>>)
      %add3A_149 = arith.constant 0 : i32
      %add3A_150 = arith.addi %mul3A_136, %add3A_149 : i32
      %mul3A_151 = arith.constant 128 : i32
      %mul3A_152 = arith.muli %add3A_150, %mul3A_151 : i32
      %add3A_153 = arith.addi %mul3A_2, %mul3A_152 : i32
      %dma_start3A_154 = arith.constant 0 : i32
      %dma_start3A_155 = tpu.memref_slice %arg5[%add3A_153, %dma_start3A_154] : memref<204800x128xf32, #tpu.memory_space<hbm>> -> memref<128x128xf32, #tpu.memory_space<hbm>>
      %dma_start3A_156 = arith.constant 0 : i32
      %dma_start3A_157 = tpu.memref_slice %arg5[%add3A_153, %dma_start3A_156] : memref<204800x128xf32, #tpu.memory_space<hbm>> -> memref<128x128xf32, #tpu.memory_space<hbm>>
      tpu.enqueue_dma source(%arg8 : memref<128x128xf32, #tpu.memory_space<vmem>>) target(%dma_start3A_157 : memref<128x128xf32, #tpu.memory_space<hbm>>) target_semaphore(%arg17 : memref<!tpu.dma_semaphore, #tpu.memory_space<semaphore_mem>>)
      %dma_start3A_158 = arith.constant 0 : i32
      %dma_start3A_159 = tpu.memref_slice %arg6[%add3A_153, %dma_start3A_158] : memref<204800x128xf32, #tpu.memory_space<hbm>> -> memref<128x128xf32, #tpu.memory_space<hbm>>
      %dma_start3A_160 = arith.constant 0 : i32
      %dma_start3A_161 = tpu.memref_slice %arg6[%add3A_153, %dma_start3A_160] : memref<204800x128xf32, #tpu.memory_space<hbm>> -> memref<128x128xf32, #tpu.memory_space<hbm>>
      tpu.enqueue_dma source(%arg11 : memref<128x128xf32, #tpu.memory_space<vmem>>) target(%dma_start3A_161 : memref<128x128xf32, #tpu.memory_space<hbm>>) target_semaphore(%arg17 : memref<!tpu.dma_semaphore, #tpu.memory_space<semaphore_mem>>)
      %add3A_162 = arith.constant 0 : i32
      %add3A_163 = arith.addi %mul3A_136, %add3A_162 : i32
      %add3A_164 = arith.constant 3 : i32
      %add3A_165 = arith.addi %add3A_163, %add3A_164 : i32
      %lt3A = arith.constant 50 : i32
      %lt3A_166 = arith.cmpi slt, %add3A_165, %lt3A : i32
      %convert_element_type3A = arith.extui %lt3A_166 : i1 to i32
      %cond3A = arith.constant 0 : i32
      %cond3A_167 = arith.cmpi ne, %convert_element_type3A, %cond3A : i32
      scf.if %cond3A_167 {
        %dma_wait3A_236 = arith.constant 0 : i32
        %dma_wait3A_237 = arith.constant 0 : i32
        %dma_wait3A_238 = tpu.memref_slice %arg5[%dma_wait3A_236, %dma_wait3A_237] : memref<204800x128xf32, #tpu.memory_space<hbm>> -> memref<128x128xf32, #tpu.memory_space<hbm>>
        %dma_wait3A_239 = arith.constant 0 : i32
        %dma_wait3A_240 = arith.constant 0 : i32
        %dma_wait3A_241 = tpu.memref_slice %arg5[%dma_wait3A_239, %dma_wait3A_240] : memref<204800x128xf32, #tpu.memory_space<hbm>> -> memref<128x128xf32, #tpu.memory_space<hbm>>
        tpu.wait_dma2 semaphore(%arg17 : memref<!tpu.dma_semaphore, #tpu.memory_space<semaphore_mem>>) src(%arg8 : memref<128x128xf32, #tpu.memory_space<vmem>>) dst(%dma_wait3A_241 : memref<128x128xf32, #tpu.memory_space<hbm>>)
        %dma_wait3A_242 = arith.constant 0 : i32
        %dma_wait3A_243 = arith.constant 0 : i32
        %dma_wait3A_244 = tpu.memref_slice %arg6[%dma_wait3A_242, %dma_wait3A_243] : memref<204800x128xf32, #tpu.memory_space<hbm>> -> memref<128x128xf32, #tpu.memory_space<hbm>>
        %dma_wait3A_245 = arith.constant 0 : i32
        %dma_wait3A_246 = arith.constant 0 : i32
        %dma_wait3A_247 = tpu.memref_slice %arg6[%dma_wait3A_245, %dma_wait3A_246] : memref<204800x128xf32, #tpu.memory_space<hbm>> -> memref<128x128xf32, #tpu.memory_space<hbm>>
        tpu.wait_dma2 semaphore(%arg17 : memref<!tpu.dma_semaphore, #tpu.memory_space<semaphore_mem>>) src(%arg11 : memref<128x128xf32, #tpu.memory_space<vmem>>) dst(%dma_wait3A_247 : memref<128x128xf32, #tpu.memory_space<hbm>>)
        %add3A_248 = arith.constant 0 : i32
        %add3A_249 = arith.addi %mul3A_136, %add3A_248 : i32
        %add3A_250 = arith.constant 3 : i32
        %add3A_251 = arith.addi %add3A_249, %add3A_250 : i32
        %dma_start3A_252 = arith.constant 0 : i32
        %dma_start3A_253 = arith.constant 0 : i32
        %dma_start3A_254 = tpu.memref_slice %arg7[%dma_start3A_252, %add3A_251, %dma_start3A_253] : memref<1x50x128xi32, #tpu.memory_space<vmem>> -> memref<1x1x128xi32, #tpu.memory_space<vmem>>
        %dma_start3A_255 = tpu.memref_squeeze %dma_start3A_254 : memref<1x1x128xi32, #tpu.memory_space<vmem>> -> memref<128xi32, #tpu.memory_space<vmem>>
        %dma_start3A_256 = arith.constant 0 : i32
        %dma_start3A_257 = arith.constant 0 : i32
        %dma_start3A_258 = tpu.memref_slice %arg2[%dma_start3A_256, %dma_start3A_257] : memref<100000x128xf32, #tpu.memory_space<hbm>> -> memref<100000x128xf32, #tpu.memory_space<hbm>>
        tpu.enqueue_indirect_dma source(%dma_start3A_258 : memref<100000x128xf32, #tpu.memory_space<hbm>>) target(%arg8 : memref<128x128xf32, #tpu.memory_space<vmem>>) offsets(%dma_start3A_255 : memref<128xi32, #tpu.memory_space<vmem>>) semaphore(%arg14 : memref<!tpu.dma_semaphore, #tpu.memory_space<semaphore_mem>>)
        %dma_start3A_259 = arith.constant 0 : i32
        %dma_start3A_260 = arith.constant 0 : i32
        %dma_start3A_261 = tpu.memref_slice %arg7[%dma_start3A_259, %add3A_251, %dma_start3A_260] : memref<1x50x128xi32, #tpu.memory_space<vmem>> -> memref<1x1x128xi32, #tpu.memory_space<vmem>>
        %dma_start3A_262 = tpu.memref_squeeze %dma_start3A_261 : memref<1x1x128xi32, #tpu.memory_space<vmem>> -> memref<128xi32, #tpu.memory_space<vmem>>
        %dma_start3A_263 = arith.constant 0 : i32
        %dma_start3A_264 = arith.constant 0 : i32
        %dma_start3A_265 = tpu.memref_slice %arg3[%dma_start3A_263, %dma_start3A_264] : memref<100000x128xf32, #tpu.memory_space<hbm>> -> memref<100000x128xf32, #tpu.memory_space<hbm>>
        tpu.enqueue_indirect_dma source(%dma_start3A_265 : memref<100000x128xf32, #tpu.memory_space<hbm>>) target(%arg11 : memref<128x128xf32, #tpu.memory_space<vmem>>) offsets(%dma_start3A_262 : memref<128xi32, #tpu.memory_space<vmem>>) semaphore(%arg14 : memref<!tpu.dma_semaphore, #tpu.memory_space<semaphore_mem>>)
      } else {
      }
      %dma_wait3A_168 = arith.constant 0 : i32
      %dma_wait3A_169 = arith.constant 0 : i32
      %dma_wait3A_170 = tpu.memref_slice %arg2[%dma_wait3A_168, %dma_wait3A_169] : memref<100000x128xf32, #tpu.memory_space<hbm>> -> memref<128x128xf32, #tpu.memory_space<hbm>>
      %dma_wait3A_171 = arith.constant 0 : i32
      %dma_wait3A_172 = arith.constant 0 : i32
      %dma_wait3A_173 = tpu.memref_slice %arg2[%dma_wait3A_171, %dma_wait3A_172] : memref<100000x128xf32, #tpu.memory_space<hbm>> -> memref<128x128xf32, #tpu.memory_space<hbm>>
      tpu.wait_dma2 semaphore(%arg15 : memref<!tpu.dma_semaphore, #tpu.memory_space<semaphore_mem>>) src(%dma_wait3A_173 : memref<128x128xf32, #tpu.memory_space<hbm>>) dst(%arg9 : memref<128x128xf32, #tpu.memory_space<vmem>>)
      %dma_wait3A_174 = arith.constant 0 : i32
      %dma_wait3A_175 = arith.constant 0 : i32
      %dma_wait3A_176 = tpu.memref_slice %arg3[%dma_wait3A_174, %dma_wait3A_175] : memref<100000x128xf32, #tpu.memory_space<hbm>> -> memref<128x128xf32, #tpu.memory_space<hbm>>
      %dma_wait3A_177 = arith.constant 0 : i32
      %dma_wait3A_178 = arith.constant 0 : i32
      %dma_wait3A_179 = tpu.memref_slice %arg3[%dma_wait3A_177, %dma_wait3A_178] : memref<100000x128xf32, #tpu.memory_space<hbm>> -> memref<128x128xf32, #tpu.memory_space<hbm>>
      tpu.wait_dma2 semaphore(%arg15 : memref<!tpu.dma_semaphore, #tpu.memory_space<semaphore_mem>>) src(%dma_wait3A_179 : memref<128x128xf32, #tpu.memory_space<hbm>>) dst(%arg12 : memref<128x128xf32, #tpu.memory_space<vmem>>)
      %add3A_180 = arith.constant 1 : i32
      %add3A_181 = arith.addi %mul3A_136, %add3A_180 : i32
      %mul3A_182 = arith.constant 128 : i32
      %mul3A_183 = arith.muli %add3A_181, %mul3A_182 : i32
      %add3A_184 = arith.addi %mul3A_2, %mul3A_183 : i32
      %dma_start3A_185 = arith.constant 0 : i32
      %dma_start3A_186 = tpu.memref_slice %arg5[%add3A_184, %dma_start3A_185] : memref<204800x128xf32, #tpu.memory_space<hbm>> -> memref<128x128xf32, #tpu.memory_space<hbm>>
      %dma_start3A_187 = arith.constant 0 : i32
      %dma_start3A_188 = tpu.memref_slice %arg5[%add3A_184, %dma_start3A_187] : memref<204800x128xf32, #tpu.memory_space<hbm>> -> memref<128x128xf32, #tpu.memory_space<hbm>>
      tpu.enqueue_dma source(%arg9 : memref<128x128xf32, #tpu.memory_space<vmem>>) target(%dma_start3A_188 : memref<128x128xf32, #tpu.memory_space<hbm>>) target_semaphore(%arg18 : memref<!tpu.dma_semaphore, #tpu.memory_space<semaphore_mem>>)
      %dma_start3A_189 = arith.constant 0 : i32
      %dma_start3A_190 = tpu.memref_slice %arg6[%add3A_184, %dma_start3A_189] : memref<204800x128xf32, #tpu.memory_space<hbm>> -> memref<128x128xf32, #tpu.memory_space<hbm>>
      %dma_start3A_191 = arith.constant 0 : i32
      %dma_start3A_192 = tpu.memref_slice %arg6[%add3A_184, %dma_start3A_191] : memref<204800x128xf32, #tpu.memory_space<hbm>> -> memref<128x128xf32, #tpu.memory_space<hbm>>
      tpu.enqueue_dma source(%arg12 : memref<128x128xf32, #tpu.memory_space<vmem>>) target(%dma_start3A_192 : memref<128x128xf32, #tpu.memory_space<hbm>>) target_semaphore(%arg18 : memref<!tpu.dma_semaphore, #tpu.memory_space<semaphore_mem>>)
      %add3A_193 = arith.constant 1 : i32
      %add3A_194 = arith.addi %mul3A_136, %add3A_193 : i32
      %add3A_195 = arith.constant 3 : i32
      %add3A_196 = arith.addi %add3A_194, %add3A_195 : i32
      %lt3A_197 = arith.constant 50 : i32
      %lt3A_198 = arith.cmpi slt, %add3A_196, %lt3A_197 : i32
      %convert_element_type3A_199 = arith.extui %lt3A_198 : i1 to i32
      %cond3A_200 = arith.constant 0 : i32
      %cond3A_201 = arith.cmpi ne, %convert_element_type3A_199, %cond3A_200 : i32
      scf.if %cond3A_201 {
        %dma_wait3A_236 = arith.constant 0 : i32
        %dma_wait3A_237 = arith.constant 0 : i32
        %dma_wait3A_238 = tpu.memref_slice %arg5[%dma_wait3A_236, %dma_wait3A_237] : memref<204800x128xf32, #tpu.memory_space<hbm>> -> memref<128x128xf32, #tpu.memory_space<hbm>>
        %dma_wait3A_239 = arith.constant 0 : i32
        %dma_wait3A_240 = arith.constant 0 : i32
        %dma_wait3A_241 = tpu.memref_slice %arg5[%dma_wait3A_239, %dma_wait3A_240] : memref<204800x128xf32, #tpu.memory_space<hbm>> -> memref<128x128xf32, #tpu.memory_space<hbm>>
        tpu.wait_dma2 semaphore(%arg18 : memref<!tpu.dma_semaphore, #tpu.memory_space<semaphore_mem>>) src(%arg9 : memref<128x128xf32, #tpu.memory_space<vmem>>) dst(%dma_wait3A_241 : memref<128x128xf32, #tpu.memory_space<hbm>>)
        %dma_wait3A_242 = arith.constant 0 : i32
        %dma_wait3A_243 = arith.constant 0 : i32
        %dma_wait3A_244 = tpu.memref_slice %arg6[%dma_wait3A_242, %dma_wait3A_243] : memref<204800x128xf32, #tpu.memory_space<hbm>> -> memref<128x128xf32, #tpu.memory_space<hbm>>
        %dma_wait3A_245 = arith.constant 0 : i32
        %dma_wait3A_246 = arith.constant 0 : i32
        %dma_wait3A_247 = tpu.memref_slice %arg6[%dma_wait3A_245, %dma_wait3A_246] : memref<204800x128xf32, #tpu.memory_space<hbm>> -> memref<128x128xf32, #tpu.memory_space<hbm>>
        tpu.wait_dma2 semaphore(%arg18 : memref<!tpu.dma_semaphore, #tpu.memory_space<semaphore_mem>>) src(%arg12 : memref<128x128xf32, #tpu.memory_space<vmem>>) dst(%dma_wait3A_247 : memref<128x128xf32, #tpu.memory_space<hbm>>)
        %add3A_248 = arith.constant 1 : i32
        %add3A_249 = arith.addi %mul3A_136, %add3A_248 : i32
        %add3A_250 = arith.constant 3 : i32
        %add3A_251 = arith.addi %add3A_249, %add3A_250 : i32
        %dma_start3A_252 = arith.constant 0 : i32
        %dma_start3A_253 = arith.constant 0 : i32
        %dma_start3A_254 = tpu.memref_slice %arg7[%dma_start3A_252, %add3A_251, %dma_start3A_253] : memref<1x50x128xi32, #tpu.memory_space<vmem>> -> memref<1x1x128xi32, #tpu.memory_space<vmem>>
        %dma_start3A_255 = tpu.memref_squeeze %dma_start3A_254 : memref<1x1x128xi32, #tpu.memory_space<vmem>> -> memref<128xi32, #tpu.memory_space<vmem>>
        %dma_start3A_256 = arith.constant 0 : i32
        %dma_start3A_257 = arith.constant 0 : i32
        %dma_start3A_258 = tpu.memref_slice %arg2[%dma_start3A_256, %dma_start3A_257] : memref<100000x128xf32, #tpu.memory_space<hbm>> -> memref<100000x128xf32, #tpu.memory_space<hbm>>
        tpu.enqueue_indirect_dma source(%dma_start3A_258 : memref<100000x128xf32, #tpu.memory_space<hbm>>) target(%arg9 : memref<128x128xf32, #tpu.memory_space<vmem>>) offsets(%dma_start3A_255 : memref<128xi32, #tpu.memory_space<vmem>>) semaphore(%arg15 : memref<!tpu.dma_semaphore, #tpu.memory_space<semaphore_mem>>)
        %dma_start3A_259 = arith.constant 0 : i32
        %dma_start3A_260 = arith.constant 0 : i32
        %dma_start3A_261 = tpu.memref_slice %arg7[%dma_start3A_259, %add3A_251, %dma_start3A_260] : memref<1x50x128xi32, #tpu.memory_space<vmem>> -> memref<1x1x128xi32, #tpu.memory_space<vmem>>
        %dma_start3A_262 = tpu.memref_squeeze %dma_start3A_261 : memref<1x1x128xi32, #tpu.memory_space<vmem>> -> memref<128xi32, #tpu.memory_space<vmem>>
        %dma_start3A_263 = arith.constant 0 : i32
        %dma_start3A_264 = arith.constant 0 : i32
        %dma_start3A_265 = tpu.memref_slice %arg3[%dma_start3A_263, %dma_start3A_264] : memref<100000x128xf32, #tpu.memory_space<hbm>> -> memref<100000x128xf32, #tpu.memory_space<hbm>>
        tpu.enqueue_indirect_dma source(%dma_start3A_265 : memref<100000x128xf32, #tpu.memory_space<hbm>>) target(%arg12 : memref<128x128xf32, #tpu.memory_space<vmem>>) offsets(%dma_start3A_262 : memref<128xi32, #tpu.memory_space<vmem>>) semaphore(%arg15 : memref<!tpu.dma_semaphore, #tpu.memory_space<semaphore_mem>>)
      } else {
      }
      %dma_wait3A_202 = arith.constant 0 : i32
      %dma_wait3A_203 = arith.constant 0 : i32
      %dma_wait3A_204 = tpu.memref_slice %arg2[%dma_wait3A_202, %dma_wait3A_203] : memref<100000x128xf32, #tpu.memory_space<hbm>> -> memref<128x128xf32, #tpu.memory_space<hbm>>
      %dma_wait3A_205 = arith.constant 0 : i32
      %dma_wait3A_206 = arith.constant 0 : i32
      %dma_wait3A_207 = tpu.memref_slice %arg2[%dma_wait3A_205, %dma_wait3A_206] : memref<100000x128xf32, #tpu.memory_space<hbm>> -> memref<128x128xf32, #tpu.memory_space<hbm>>
      tpu.wait_dma2 semaphore(%arg16 : memref<!tpu.dma_semaphore, #tpu.memory_space<semaphore_mem>>) src(%dma_wait3A_207 : memref<128x128xf32, #tpu.memory_space<hbm>>) dst(%arg10 : memref<128x128xf32, #tpu.memory_space<vmem>>)
      %dma_wait3A_208 = arith.constant 0 : i32
      %dma_wait3A_209 = arith.constant 0 : i32
      %dma_wait3A_210 = tpu.memref_slice %arg3[%dma_wait3A_208, %dma_wait3A_209] : memref<100000x128xf32, #tpu.memory_space<hbm>> -> memref<128x128xf32, #tpu.memory_space<hbm>>
      %dma_wait3A_211 = arith.constant 0 : i32
      %dma_wait3A_212 = arith.constant 0 : i32
      %dma_wait3A_213 = tpu.memref_slice %arg3[%dma_wait3A_211, %dma_wait3A_212] : memref<100000x128xf32, #tpu.memory_space<hbm>> -> memref<128x128xf32, #tpu.memory_space<hbm>>
      tpu.wait_dma2 semaphore(%arg16 : memref<!tpu.dma_semaphore, #tpu.memory_space<semaphore_mem>>) src(%dma_wait3A_213 : memref<128x128xf32, #tpu.memory_space<hbm>>) dst(%arg13 : memref<128x128xf32, #tpu.memory_space<vmem>>)
      %add3A_214 = arith.constant 2 : i32
      %add3A_215 = arith.addi %mul3A_136, %add3A_214 : i32
      %mul3A_216 = arith.constant 128 : i32
      %mul3A_217 = arith.muli %add3A_215, %mul3A_216 : i32
      %add3A_218 = arith.addi %mul3A_2, %mul3A_217 : i32
      %dma_start3A_219 = arith.constant 0 : i32
      %dma_start3A_220 = tpu.memref_slice %arg5[%add3A_218, %dma_start3A_219] : memref<204800x128xf32, #tpu.memory_space<hbm>> -> memref<128x128xf32, #tpu.memory_space<hbm>>
      %dma_start3A_221 = arith.constant 0 : i32
      %dma_start3A_222 = tpu.memref_slice %arg5[%add3A_218, %dma_start3A_221] : memref<204800x128xf32, #tpu.memory_space<hbm>> -> memref<128x128xf32, #tpu.memory_space<hbm>>
      tpu.enqueue_dma source(%arg10 : memref<128x128xf32, #tpu.memory_space<vmem>>) target(%dma_start3A_222 : memref<128x128xf32, #tpu.memory_space<hbm>>) target_semaphore(%arg19 : memref<!tpu.dma_semaphore, #tpu.memory_space<semaphore_mem>>)
      %dma_start3A_223 = arith.constant 0 : i32
      %dma_start3A_224 = tpu.memref_slice %arg6[%add3A_218, %dma_start3A_223] : memref<204800x128xf32, #tpu.memory_space<hbm>> -> memref<128x128xf32, #tpu.memory_space<hbm>>
      %dma_start3A_225 = arith.constant 0 : i32
      %dma_start3A_226 = tpu.memref_slice %arg6[%add3A_218, %dma_start3A_225] : memref<204800x128xf32, #tpu.memory_space<hbm>> -> memref<128x128xf32, #tpu.memory_space<hbm>>
      tpu.enqueue_dma source(%arg13 : memref<128x128xf32, #tpu.memory_space<vmem>>) target(%dma_start3A_226 : memref<128x128xf32, #tpu.memory_space<hbm>>) target_semaphore(%arg19 : memref<!tpu.dma_semaphore, #tpu.memory_space<semaphore_mem>>)
      %add3A_227 = arith.constant 2 : i32
      %add3A_228 = arith.addi %mul3A_136, %add3A_227 : i32
      %add3A_229 = arith.constant 3 : i32
      %add3A_230 = arith.addi %add3A_228, %add3A_229 : i32
      %lt3A_231 = arith.constant 50 : i32
      %lt3A_232 = arith.cmpi slt, %add3A_230, %lt3A_231 : i32
      %convert_element_type3A_233 = arith.extui %lt3A_232 : i1 to i32
      %cond3A_234 = arith.constant 0 : i32
      %cond3A_235 = arith.cmpi ne, %convert_element_type3A_233, %cond3A_234 : i32
      scf.if %cond3A_235 {
        %dma_wait3A_236 = arith.constant 0 : i32
        %dma_wait3A_237 = arith.constant 0 : i32
        %dma_wait3A_238 = tpu.memref_slice %arg5[%dma_wait3A_236, %dma_wait3A_237] : memref<204800x128xf32, #tpu.memory_space<hbm>> -> memref<128x128xf32, #tpu.memory_space<hbm>>
        %dma_wait3A_239 = arith.constant 0 : i32
        %dma_wait3A_240 = arith.constant 0 : i32
        %dma_wait3A_241 = tpu.memref_slice %arg5[%dma_wait3A_239, %dma_wait3A_240] : memref<204800x128xf32, #tpu.memory_space<hbm>> -> memref<128x128xf32, #tpu.memory_space<hbm>>
        tpu.wait_dma2 semaphore(%arg19 : memref<!tpu.dma_semaphore, #tpu.memory_space<semaphore_mem>>) src(%arg10 : memref<128x128xf32, #tpu.memory_space<vmem>>) dst(%dma_wait3A_241 : memref<128x128xf32, #tpu.memory_space<hbm>>)
        %dma_wait3A_242 = arith.constant 0 : i32
        %dma_wait3A_243 = arith.constant 0 : i32
        %dma_wait3A_244 = tpu.memref_slice %arg6[%dma_wait3A_242, %dma_wait3A_243] : memref<204800x128xf32, #tpu.memory_space<hbm>> -> memref<128x128xf32, #tpu.memory_space<hbm>>
        %dma_wait3A_245 = arith.constant 0 : i32
        %dma_wait3A_246 = arith.constant 0 : i32
        %dma_wait3A_247 = tpu.memref_slice %arg6[%dma_wait3A_245, %dma_wait3A_246] : memref<204800x128xf32, #tpu.memory_space<hbm>> -> memref<128x128xf32, #tpu.memory_space<hbm>>
        tpu.wait_dma2 semaphore(%arg19 : memref<!tpu.dma_semaphore, #tpu.memory_space<semaphore_mem>>) src(%arg13 : memref<128x128xf32, #tpu.memory_space<vmem>>) dst(%dma_wait3A_247 : memref<128x128xf32, #tpu.memory_space<hbm>>)
        %add3A_248 = arith.constant 2 : i32
        %add3A_249 = arith.addi %mul3A_136, %add3A_248 : i32
        %add3A_250 = arith.constant 3 : i32
        %add3A_251 = arith.addi %add3A_249, %add3A_250 : i32
        %dma_start3A_252 = arith.constant 0 : i32
        %dma_start3A_253 = arith.constant 0 : i32
        %dma_start3A_254 = tpu.memref_slice %arg7[%dma_start3A_252, %add3A_251, %dma_start3A_253] : memref<1x50x128xi32, #tpu.memory_space<vmem>> -> memref<1x1x128xi32, #tpu.memory_space<vmem>>
        %dma_start3A_255 = tpu.memref_squeeze %dma_start3A_254 : memref<1x1x128xi32, #tpu.memory_space<vmem>> -> memref<128xi32, #tpu.memory_space<vmem>>
        %dma_start3A_256 = arith.constant 0 : i32
        %dma_start3A_257 = arith.constant 0 : i32
        %dma_start3A_258 = tpu.memref_slice %arg2[%dma_start3A_256, %dma_start3A_257] : memref<100000x128xf32, #tpu.memory_space<hbm>> -> memref<100000x128xf32, #tpu.memory_space<hbm>>
        tpu.enqueue_indirect_dma source(%dma_start3A_258 : memref<100000x128xf32, #tpu.memory_space<hbm>>) target(%arg10 : memref<128x128xf32, #tpu.memory_space<vmem>>) offsets(%dma_start3A_255 : memref<128xi32, #tpu.memory_space<vmem>>) semaphore(%arg16 : memref<!tpu.dma_semaphore, #tpu.memory_space<semaphore_mem>>)
        %dma_start3A_259 = arith.constant 0 : i32
        %dma_start3A_260 = arith.constant 0 : i32
        %dma_start3A_261 = tpu.memref_slice %arg7[%dma_start3A_259, %add3A_251, %dma_start3A_260] : memref<1x50x128xi32, #tpu.memory_space<vmem>> -> memref<1x1x128xi32, #tpu.memory_space<vmem>>
        %dma_start3A_262 = tpu.memref_squeeze %dma_start3A_261 : memref<1x1x128xi32, #tpu.memory_space<vmem>> -> memref<128xi32, #tpu.memory_space<vmem>>
        %dma_start3A_263 = arith.constant 0 : i32
        %dma_start3A_264 = arith.constant 0 : i32
        %dma_start3A_265 = tpu.memref_slice %arg3[%dma_start3A_263, %dma_start3A_264] : memref<100000x128xf32, #tpu.memory_space<hbm>> -> memref<100000x128xf32, #tpu.memory_space<hbm>>
        tpu.enqueue_indirect_dma source(%dma_start3A_265 : memref<100000x128xf32, #tpu.memory_space<hbm>>) target(%arg13 : memref<128x128xf32, #tpu.memory_space<vmem>>) offsets(%dma_start3A_262 : memref<128xi32, #tpu.memory_space<vmem>>) semaphore(%arg16 : memref<!tpu.dma_semaphore, #tpu.memory_space<semaphore_mem>>)
      } else {
      }
    }
    %scan3A_54 = arith.constant 16 : i32
    %dma_wait3A = arith.constant 0 : i32
    %dma_wait3A_55 = arith.constant 0 : i32
    %dma_wait3A_56 = tpu.memref_slice %arg2[%dma_wait3A, %dma_wait3A_55] : memref<100000x128xf32, #tpu.memory_space<hbm>> -> memref<128x128xf32, #tpu.memory_space<hbm>>
    %dma_wait3A_57 = arith.constant 0 : i32
    %dma_wait3A_58 = arith.constant 0 : i32
    %dma_wait3A_59 = tpu.memref_slice %arg2[%dma_wait3A_57, %dma_wait3A_58] : memref<100000x128xf32, #tpu.memory_space<hbm>> -> memref<128x128xf32, #tpu.memory_space<hbm>>
    tpu.wait_dma2 semaphore(%arg14 : memref<!tpu.dma_semaphore, #tpu.memory_space<semaphore_mem>>) src(%dma_wait3A_59 : memref<128x128xf32, #tpu.memory_space<hbm>>) dst(%arg8 : memref<128x128xf32, #tpu.memory_space<vmem>>)
    %dma_wait3A_60 = arith.constant 0 : i32
    %dma_wait3A_61 = arith.constant 0 : i32
    %dma_wait3A_62 = tpu.memref_slice %arg3[%dma_wait3A_60, %dma_wait3A_61] : memref<100000x128xf32, #tpu.memory_space<hbm>> -> memref<128x128xf32, #tpu.memory_space<hbm>>
    %dma_wait3A_63 = arith.constant 0 : i32
    %dma_wait3A_64 = arith.constant 0 : i32
    %dma_wait3A_65 = tpu.memref_slice %arg3[%dma_wait3A_63, %dma_wait3A_64] : memref<100000x128xf32, #tpu.memory_space<hbm>> -> memref<128x128xf32, #tpu.memory_space<hbm>>
    tpu.wait_dma2 semaphore(%arg14 : memref<!tpu.dma_semaphore, #tpu.memory_space<semaphore_mem>>) src(%dma_wait3A_65 : memref<128x128xf32, #tpu.memory_space<hbm>>) dst(%arg11 : memref<128x128xf32, #tpu.memory_space<vmem>>)
    %add3A_66 = arith.constant 6144 : i32
    %add3A_67 = arith.addi %mul3A_2, %add3A_66 : i32
    %dma_start3A_68 = arith.constant 0 : i32
    %dma_start3A_69 = tpu.memref_slice %arg5[%add3A_67, %dma_start3A_68] : memref<204800x128xf32, #tpu.memory_space<hbm>> -> memref<128x128xf32, #tpu.memory_space<hbm>>
    %dma_start3A_70 = arith.constant 0 : i32
    %dma_start3A_71 = tpu.memref_slice %arg5[%add3A_67, %dma_start3A_70] : memref<204800x128xf32, #tpu.memory_space<hbm>> -> memref<128x128xf32, #tpu.memory_space<hbm>>
    tpu.enqueue_dma source(%arg8 : memref<128x128xf32, #tpu.memory_space<vmem>>) target(%dma_start3A_71 : memref<128x128xf32, #tpu.memory_space<hbm>>) target_semaphore(%arg17 : memref<!tpu.dma_semaphore, #tpu.memory_space<semaphore_mem>>)
    %dma_start3A_72 = arith.constant 0 : i32
    %dma_start3A_73 = tpu.memref_slice %arg6[%add3A_67, %dma_start3A_72] : memref<204800x128xf32, #tpu.memory_space<hbm>> -> memref<128x128xf32, #tpu.memory_space<hbm>>
    %dma_start3A_74 = arith.constant 0 : i32
    %dma_start3A_75 = tpu.memref_slice %arg6[%add3A_67, %dma_start3A_74] : memref<204800x128xf32, #tpu.memory_space<hbm>> -> memref<128x128xf32, #tpu.memory_space<hbm>>
    tpu.enqueue_dma source(%arg11 : memref<128x128xf32, #tpu.memory_space<vmem>>) target(%dma_start3A_75 : memref<128x128xf32, #tpu.memory_space<hbm>>) target_semaphore(%arg17 : memref<!tpu.dma_semaphore, #tpu.memory_space<semaphore_mem>>)
    %dma_wait3A_76 = arith.constant 0 : i32
    %dma_wait3A_77 = arith.constant 0 : i32
    %dma_wait3A_78 = tpu.memref_slice %arg2[%dma_wait3A_76, %dma_wait3A_77] : memref<100000x128xf32, #tpu.memory_space<hbm>> -> memref<128x128xf32, #tpu.memory_space<hbm>>
    %dma_wait3A_79 = arith.constant 0 : i32
    %dma_wait3A_80 = arith.constant 0 : i32
    %dma_wait3A_81 = tpu.memref_slice %arg2[%dma_wait3A_79, %dma_wait3A_80] : memref<100000x128xf32, #tpu.memory_space<hbm>> -> memref<128x128xf32, #tpu.memory_space<hbm>>
    tpu.wait_dma2 semaphore(%arg15 : memref<!tpu.dma_semaphore, #tpu.memory_space<semaphore_mem>>) src(%dma_wait3A_81 : memref<128x128xf32, #tpu.memory_space<hbm>>) dst(%arg9 : memref<128x128xf32, #tpu.memory_space<vmem>>)
    %dma_wait3A_82 = arith.constant 0 : i32
    %dma_wait3A_83 = arith.constant 0 : i32
    %dma_wait3A_84 = tpu.memref_slice %arg3[%dma_wait3A_82, %dma_wait3A_83] : memref<100000x128xf32, #tpu.memory_space<hbm>> -> memref<128x128xf32, #tpu.memory_space<hbm>>
    %dma_wait3A_85 = arith.constant 0 : i32
    %dma_wait3A_86 = arith.constant 0 : i32
    %dma_wait3A_87 = tpu.memref_slice %arg3[%dma_wait3A_85, %dma_wait3A_86] : memref<100000x128xf32, #tpu.memory_space<hbm>> -> memref<128x128xf32, #tpu.memory_space<hbm>>
    tpu.wait_dma2 semaphore(%arg15 : memref<!tpu.dma_semaphore, #tpu.memory_space<semaphore_mem>>) src(%dma_wait3A_87 : memref<128x128xf32, #tpu.memory_space<hbm>>) dst(%arg12 : memref<128x128xf32, #tpu.memory_space<vmem>>)
    %add3A_88 = arith.constant 6272 : i32
    %add3A_89 = arith.addi %mul3A_2, %add3A_88 : i32
    %dma_start3A_90 = arith.constant 0 : i32
    %dma_start3A_91 = tpu.memref_slice %arg5[%add3A_89, %dma_start3A_90] : memref<204800x128xf32, #tpu.memory_space<hbm>> -> memref<128x128xf32, #tpu.memory_space<hbm>>
    %dma_start3A_92 = arith.constant 0 : i32
    %dma_start3A_93 = tpu.memref_slice %arg5[%add3A_89, %dma_start3A_92] : memref<204800x128xf32, #tpu.memory_space<hbm>> -> memref<128x128xf32, #tpu.memory_space<hbm>>
    tpu.enqueue_dma source(%arg9 : memref<128x128xf32, #tpu.memory_space<vmem>>) target(%dma_start3A_93 : memref<128x128xf32, #tpu.memory_space<hbm>>) target_semaphore(%arg18 : memref<!tpu.dma_semaphore, #tpu.memory_space<semaphore_mem>>)
    %dma_start3A_94 = arith.constant 0 : i32
    %dma_start3A_95 = tpu.memref_slice %arg6[%add3A_89, %dma_start3A_94] : memref<204800x128xf32, #tpu.memory_space<hbm>> -> memref<128x128xf32, #tpu.memory_space<hbm>>
    %dma_start3A_96 = arith.constant 0 : i32
    %dma_start3A_97 = tpu.memref_slice %arg6[%add3A_89, %dma_start3A_96] : memref<204800x128xf32, #tpu.memory_space<hbm>> -> memref<128x128xf32, #tpu.memory_space<hbm>>
    tpu.enqueue_dma source(%arg12 : memref<128x128xf32, #tpu.memory_space<vmem>>) target(%dma_start3A_97 : memref<128x128xf32, #tpu.memory_space<hbm>>) target_semaphore(%arg18 : memref<!tpu.dma_semaphore, #tpu.memory_space<semaphore_mem>>)
    %dma_wait3A_98 = arith.constant 0 : i32
    %dma_wait3A_99 = arith.constant 0 : i32
    %dma_wait3A_100 = tpu.memref_slice %arg5[%dma_wait3A_98, %dma_wait3A_99] : memref<204800x128xf32, #tpu.memory_space<hbm>> -> memref<128x128xf32, #tpu.memory_space<hbm>>
    %dma_wait3A_101 = arith.constant 0 : i32
    %dma_wait3A_102 = arith.constant 0 : i32
    %dma_wait3A_103 = tpu.memref_slice %arg5[%dma_wait3A_101, %dma_wait3A_102] : memref<204800x128xf32, #tpu.memory_space<hbm>> -> memref<128x128xf32, #tpu.memory_space<hbm>>
    tpu.wait_dma2 semaphore(%arg17 : memref<!tpu.dma_semaphore, #tpu.memory_space<semaphore_mem>>) src(%arg8 : memref<128x128xf32, #tpu.memory_space<vmem>>) dst(%dma_wait3A_103 : memref<128x128xf32, #tpu.memory_space<hbm>>)
    %dma_wait3A_104 = arith.constant 0 : i32
    %dma_wait3A_105 = arith.constant 0 : i32
    %dma_wait3A_106 = tpu.memref_slice %arg6[%dma_wait3A_104, %dma_wait3A_105] : memref<204800x128xf32, #tpu.memory_space<hbm>> -> memref<128x128xf32, #tpu.memory_space<hbm>>
    %dma_wait3A_107 = arith.constant 0 : i32
    %dma_wait3A_108 = arith.constant 0 : i32
    %dma_wait3A_109 = tpu.memref_slice %arg6[%dma_wait3A_107, %dma_wait3A_108] : memref<204800x128xf32, #tpu.memory_space<hbm>> -> memref<128x128xf32, #tpu.memory_space<hbm>>
    tpu.wait_dma2 semaphore(%arg17 : memref<!tpu.dma_semaphore, #tpu.memory_space<semaphore_mem>>) src(%arg11 : memref<128x128xf32, #tpu.memory_space<vmem>>) dst(%dma_wait3A_109 : memref<128x128xf32, #tpu.memory_space<hbm>>)
    %dma_wait3A_110 = arith.constant 0 : i32
    %dma_wait3A_111 = arith.constant 0 : i32
    %dma_wait3A_112 = tpu.memref_slice %arg5[%dma_wait3A_110, %dma_wait3A_111] : memref<204800x128xf32, #tpu.memory_space<hbm>> -> memref<128x128xf32, #tpu.memory_space<hbm>>
    %dma_wait3A_113 = arith.constant 0 : i32
    %dma_wait3A_114 = arith.constant 0 : i32
    %dma_wait3A_115 = tpu.memref_slice %arg5[%dma_wait3A_113, %dma_wait3A_114] : memref<204800x128xf32, #tpu.memory_space<hbm>> -> memref<128x128xf32, #tpu.memory_space<hbm>>
    tpu.wait_dma2 semaphore(%arg18 : memref<!tpu.dma_semaphore, #tpu.memory_space<semaphore_mem>>) src(%arg9 : memref<128x128xf32, #tpu.memory_space<vmem>>) dst(%dma_wait3A_115 : memref<128x128xf32, #tpu.memory_space<hbm>>)
    %dma_wait3A_116 = arith.constant 0 : i32
    %dma_wait3A_117 = arith.constant 0 : i32
    %dma_wait3A_118 = tpu.memref_slice %arg6[%dma_wait3A_116, %dma_wait3A_117] : memref<204800x128xf32, #tpu.memory_space<hbm>> -> memref<128x128xf32, #tpu.memory_space<hbm>>
    %dma_wait3A_119 = arith.constant 0 : i32
    %dma_wait3A_120 = arith.constant 0 : i32
    %dma_wait3A_121 = tpu.memref_slice %arg6[%dma_wait3A_119, %dma_wait3A_120] : memref<204800x128xf32, #tpu.memory_space<hbm>> -> memref<128x128xf32, #tpu.memory_space<hbm>>
    tpu.wait_dma2 semaphore(%arg18 : memref<!tpu.dma_semaphore, #tpu.memory_space<semaphore_mem>>) src(%arg12 : memref<128x128xf32, #tpu.memory_space<vmem>>) dst(%dma_wait3A_121 : memref<128x128xf32, #tpu.memory_space<hbm>>)
    %dma_wait3A_122 = arith.constant 0 : i32
    %dma_wait3A_123 = arith.constant 0 : i32
    %dma_wait3A_124 = tpu.memref_slice %arg5[%dma_wait3A_122, %dma_wait3A_123] : memref<204800x128xf32, #tpu.memory_space<hbm>> -> memref<128x128xf32, #tpu.memory_space<hbm>>
    %dma_wait3A_125 = arith.constant 0 : i32
    %dma_wait3A_126 = arith.constant 0 : i32
    %dma_wait3A_127 = tpu.memref_slice %arg5[%dma_wait3A_125, %dma_wait3A_126] : memref<204800x128xf32, #tpu.memory_space<hbm>> -> memref<128x128xf32, #tpu.memory_space<hbm>>
    tpu.wait_dma2 semaphore(%arg19 : memref<!tpu.dma_semaphore, #tpu.memory_space<semaphore_mem>>) src(%arg10 : memref<128x128xf32, #tpu.memory_space<vmem>>) dst(%dma_wait3A_127 : memref<128x128xf32, #tpu.memory_space<hbm>>)
    %dma_wait3A_128 = arith.constant 0 : i32
    %dma_wait3A_129 = arith.constant 0 : i32
    %dma_wait3A_130 = tpu.memref_slice %arg6[%dma_wait3A_128, %dma_wait3A_129] : memref<204800x128xf32, #tpu.memory_space<hbm>> -> memref<128x128xf32, #tpu.memory_space<hbm>>
    %dma_wait3A_131 = arith.constant 0 : i32
    %dma_wait3A_132 = arith.constant 0 : i32
    %dma_wait3A_133 = tpu.memref_slice %arg6[%dma_wait3A_131, %dma_wait3A_132] : memref<204800x128xf32, #tpu.memory_space<hbm>> -> memref<128x128xf32, #tpu.memory_space<hbm>>
    tpu.wait_dma2 semaphore(%arg19 : memref<!tpu.dma_semaphore, #tpu.memory_space<semaphore_mem>>) src(%arg13 : memref<128x128xf32, #tpu.memory_space<vmem>>) dst(%dma_wait3A_133 : memref<128x128xf32, #tpu.memory_space<hbm>>)
    return
  }
}

</mosaic_0001>

<sc_bundles>
// kernel: kernel.3.cloned.1.call-start
scs
__scs_entry_jumppad:
0x0: {  	(pc) =	sbr.rel $0x88, $3  }
0x1: {  	(tag) =	ssettag $0x0;
	lr =	simm.s32 $0x1  }
0x2: {  	[smem:$0x3F9F] =	sst lr;
	_ =	strace $0xD0000000  }
0x3: {  	_ = 	snop  }
0x4: {  	_ = 	snop  }
0x5: {  	_ = 	snop  }
0x6: {  	_ = 	snop  }
0x7: {  	_ = 	snop  }
__scs_overlays_trampoline_lowered:
0x8: {  	[smem:$0x3FAE] =	sst s0  }
0x9: {  	[smem:$0x3FAF] =	sst s1  }
0xa: {  	[smem:$0x3FB0] =	sst s2  }
0xb: {  	[smem:$0x3FB1] =	sst s3  }
0xc: {  	[smem:$0x3FB2] =	sst s4  }
0xd: {  	[smem:$0x3FB3] =	sst s5  }
0xe: {  	[smem:$0x3FB4] =	sst s6  }
0xf: {  	[smem:$0x3FB5] =	sst s7  }
0x10: {  	[smem:$0x3FB6] =	sst s8  }
0x11: {  	[smem:$0x3FB7] =	sst s9;
	s0 =	simm.s32 @!p0 $0x0  }
0x12: {  	s1 =	sld [smem:$0x3F9D];
	s0 =	simm.s32 @p0 $0x1  }
0x13: {  	[smem:$0x3FB8] =	sst s0;
	s0 =	simm.s32 @!p1 $0x0  }
0x14: {  	s2 =	sld [smem:$0x3F9C];
	s0 =	simm.s32 @p1 $0x1  }
0x15: {  	[smem:$0x3FB9] =	sst s0;
	s0 =	simm.s32 @!p2 $0x0  }
0x16: {  	s3 =	sld [smem:$0x3FDB];
	s0 =	simm.s32 @p2 $0x1  }
0x17: {  	s4 =	simm.s32 $0x1BF5;
	[smem:$0x3FBB] =	sst s0  }
0x18: {  	s0 =	sld [smem:$0x3F9E];
	_ =	swait.ge [sflag:s4], $0x0  }
0x19: {  	s7 =	sld [smem:$0x3F9F]  }
0x1a: {  	s8 =	sadd.s32 $0xFFFFE003, lr  }
0x1b: {  	s9 =	sadd.s32 $0xFFFFFEF7, lr;
	s5 =	simm.s32 $0xFFFFFFFF;
	p2 =	slt.u32 s8, $0xFFFFF086  }
0x1c: {  	p1 =	slt.u32 s9, $0xF7A;
	s5 =	simm.s32 @!p2 $0x0  }
0x1d: {  	s5 =	simm.s32 @p1 $0x1;
	p0 =	seq.s32 s7, s2  }
0x1e: {  	s7 =	smul.u32 @!p0 $0xF7A, s2;
	p2 =	seq.s32 @!p0 s5, $0x0  }
0x1f: {  	s9 =	smul.u32 $0xF7A, s1;
	s8 =	simm.s32 @!p0 $0x1BF5;
	p2 =	por !p2, p0  }
0x20: {  	[sflag:s8] =	ssyncset.s32 @!p0 $0xFFFFF086;
	s6 =	sadd.s32 @!p0 s3, s7;
	s7 =	simm.s32 @!p0 $0x108  }
0x21: {  	s3 =	sadd.s32 s3, s9;
	s6 =	sadd.s32 @!p0 $0x88, s6;
	s7 =	simm.s32 @p2 $0x1082  }
0x22: {  	[simem:s7], [sflag:s8] =	dma.local @!p0 [hbm:s6], $0xF7A  }
0x23: {  	s9 =	sor.u32 $0xD0000000, s2;
	s6 =	simm.s32 $0x108;
	_ =	swait.ge @!p0 [sflag:s8], $0x0  }
0x24: {  	s3 =	sadd.s32 $0x88, s3;
	s6 =	simm.s32 @!p1 $0x1082;
	[sflag:s4] =	ssyncset.s32 $0xFFFFF086  }
0x25: {  	[simem:s6], [sflag:s4] =	dma.local [hbm:s3], $0xF7A  }
0x26: {  	[smem:$0x3F9F] =	sst s1;
	(tag) =	ssettag s2;
	_ =	strace s9  }
0x27: {  	s1 =	sld [smem:$0x3FAF]  }
0x28: {  	s2 =	sld [smem:$0x3FB0]  }
0x29: {  	s4 =	sld [smem:$0x3FB2]  }
0x2a: {  	p0 =	seq.s32 s5, $0x0;
	s5 =	sld [smem:$0x3FB3]  }
0x2b: {  	s6 =	sld [smem:$0x3FB4]  }
0x2c: {  	s7 =	sld [smem:$0x3FB5]  }
0x2d: {  	s3 =	simm.s32 $0x108;
	s8 =	sld [smem:$0x3FB6]  }
0x2e: {  	s3 =	simm.s32 @!p0 $0x1082;
	s9 =	sld [smem:$0x3FB7]  }
0x2f: {  	lr =	sadd.s32 s0, s3;
	s0 =	sld [smem:$0x3FAE]  }
0x30: {  	s3 =	sld [smem:$0x3FB1]  }
0x31: {  	[smem:$0x3FBA] =	sst s10  }
0x32: {  	s10 =	sld [smem:$0x3FB8];
	_ =	sdelay $0x3  }
0x33: {  	p0 =	seq.s32 s10, $0x1;
	s10 =	sld [smem:$0x3FBA];
	_ =	sdelay $0x3  }
0x34: {  	[smem:$0x3FBA] =	sst s10  }
0x35: {  	s10 =	sld [smem:$0x3FB9];
	_ =	sdelay $0x3  }
0x36: {  	p1 =	seq.s32 s10, $0x1;
	s10 =	sld [smem:$0x3FBA];
	_ =	sdelay $0x3  }
0x37: {  	[smem:$0x3FBA] =	sst s10  }
0x38: {  	s10 =	sld [smem:$0x3FBB]  }
0x39: {  	_ = 	snop;
	(pc) =	sbr.ind lr, $3  }
0x3a: {  	_ = 	snop  }
0x3b: {  	_ = 	snop  }
0x3c: {  	p2 =	seq.s32 s10, $0x1;
	s10 =	sld [smem:$0x3FBA]  }
0x3d: {  	_ =	shalt  }
0x3e: {  	_ =	shalt  }
0x3f: {  	_ =	shalt  }
0x40: {  	_ =	shalt  }
0x41: {  	_ =	shalt  }
0x42: {  	_ =	shalt  }
0x43: {  	_ =	shalt  }
0x44: {  	_ =	shalt  }
0x45: {  	_ =	shalt  }
0x46: {  	_ =	shalt  }
0x47: {  	_ =	shalt  }
0x48: {  	_ =	shalt  }
0x49: {  	_ =	shalt  }
0x4a: {  	_ =	shalt  }
0x4b: {  	_ =	shalt  }
0x4c: {  	_ =	shalt  }
0x4d: {  	_ =	shalt  }
0x4e: {  	_ =	shalt  }
0x4f: {  	_ =	shalt  }
0x50: {  	_ =	shalt  }
0x51: {  	_ =	shalt  }
0x52: {  	_ =	shalt  }
0x53: {  	_ =	shalt  }
0x54: {  	_ =	shalt  }
0x55: {  	_ =	shalt  }
0x56: {  	_ =	shalt  }
0x57: {  	_ =	shalt  }
0x58: {  	_ =	shalt  }
0x59: {  	_ =	shalt  }
0x5a: {  	_ =	shalt  }
0x5b: {  	_ =	shalt  }
0x5c: {  	_ =	shalt  }
0x5d: {  	_ =	shalt  }
0x5e: {  	_ =	shalt  }
0x5f: {  	_ =	shalt  }
0x60: {  	_ =	shalt  }
0x61: {  	_ =	shalt  }
0x62: {  	_ =	shalt  }
0x63: {  	_ =	shalt  }
0x64: {  	_ =	shalt  }
0x65: {  	_ =	shalt  }
0x66: {  	_ =	shalt  }
0x67: {  	_ =	shalt  }
0x68: {  	_ =	shalt  }
0x69: {  	_ =	shalt  }
0x6a: {  	_ =	shalt  }
0x6b: {  	_ =	shalt  }
0x6c: {  	_ =	shalt  }
0x6d: {  	_ =	shalt  }
0x6e: {  	_ =	shalt  }
0x6f: {  	_ =	shalt  }
0x70: {  	_ =	shalt  }
0x71: {  	_ =	shalt  }
0x72: {  	_ =	shalt  }
0x73: {  	_ =	shalt  }
0x74: {  	_ =	shalt  }
0x75: {  	_ =	shalt  }
0x76: {  	_ =	shalt  }
0x77: {  	_ =	shalt  }
0x78: {  	_ =	shalt  }
0x79: {  	_ =	shalt  }
0x7a: {  	_ =	shalt  }
0x7b: {  	_ =	shalt  }
0x7c: {  	_ =	shalt  }
0x7d: {  	_ =	shalt  }
0x7e: {  	_ =	shalt  }
0x7f: {  	_ =	shalt  }
0x80: {  	_ =	shalt  }
0x81: {  	_ =	shalt  }
0x82: {  	_ =	shalt  }
0x83: {  	_ =	shalt  }
0x84: {  	_ =	shalt  }
0x85: {  	_ =	shalt  }
0x86: {  	_ =	shalt  }
0x87: {  	_ =	shalt  }
.Lfunc_end0:
.L_simem_size_0:
called_computation.2_lowered:
.L_overlay_start_0:
0x88: {  	s2 =	sld [smem:$0x3FD9]  }
0x89: {  	s3 =	sld [smem:$0x3FFE];
	_ =	sdelay $0x1  }
0x8a: {  	s1 =	srdreg.scid  }
0x8b: {  	s0 =	sand.u32 $0x1, s1  }
0x8c: {  	s17 =	sshll.u32 s0, $0xA;
	s2 =	sadd.s32 s3, s2  }
0x8d: {  	s2 =	sadd.s32 s2, s17  }
0x8e: {  	[smem:$0x3FC6] =	sst s2  }
0x8f: {  	_ = 	snop  }
0x90: {  	s2 =	sld [smem:$0x3FD0];
	(tm) =	ssettm $0x1  }
0x91: {  	s18 =	sld [smem:$0x3FFB];
	_ =	sdelay $0x3  }
0x92: {  	_ =	strace s18  }
0x93: {  	s3 =	sld [smem:$0x3FFC];
	_ =	sdelay $0x3  }
0x94: {  	_ =	strace s3  }
0x95: {  	s3 =	sld [smem:$0x3FFD];
	_ =	sdelay $0x3  }
0x96: {  	_ =	strace s3  }
0x97: {  	_ =	strace $0x8FFFFFFF  }
0x98: {  	s19 =	sld [smem:$0x3FDB];
	_ =	sdelay $0x1  }
0x99: {  	s4 =	simm.s32 $_scs_section_size  }
0x9a: {  	s5 =	simm.s32 $_size__tile_overlayer_lowered;
	s6 =	simm.s32 $_tile_overlayer_lowered  }
0x9b: {  	s22 =	simm.s32 $0x1BFF;
	s21 =	sshll.u32 s6, $0x1;
	s3 =	sadd.s32 s4, s19  }
0x9c: {  	s7 =	simm.s32 $0x0;
	s20 =	sshll.u32 s5, $0x1;
	s5 =	sadd.s32 s21, s3  }
0x9d: {  	[timem:s7], [sflag:s22] =	dma.local [hbm:s5], s20  }
0x9e: {  	_ =	swait.ge [sflag:s22], s20  }
0x9f: {  	s4 =	ssub.s32 $0x0, s20;
	[sflag:s22] =	ssyncset.done $0x0  }
0xa0: {  	[sflag:s22] =	ssyncadd.s32 s4;
	_ =	sdelay $0x1  }
0xa1: {  	s23 =	simm.s32 $0x1B8B  }
0xa2: {  	_ =	swait.ge [sflag:s23], $0x1  }
0xa3: {  	[sflag:s23] =	ssyncset.done $0x0  }
0xa4: {  	s25 =	simm.s32 $0x1B8E;
	s24 =	sld [smem:$0x3FFE];
	[sflag:s23] =	ssyncadd.s32 $0xFFFFFFFF  }
0xa5: {  	s26 =	simm.s32 $execute0_lowered;
	[smem:$0x3FD2] =	sst s25  }
0xa6: {  	s5 =	sshll.u32 s26, $0x1;
	_ =	strace $0x80000049;
	[dreg:$0x1] =	wrdreg $0xFFFFFFFF  }
0xa7: {  	s28 =	simm.s32 $_size_execute0_lowered;
	s3 =	sadd.s32 s3, s5;
	[dreg:$0x0] =	wrdreg $0x0  }
0xa8: {  	s5 =	sshll.u32 s28, $0x1;
	[dreg:$0x2] =	wrdreg s3  }
0xa9: {  	[dreg:$0x3] =	wrdreg s5  }
0xaa: {  	[dreg:$0x4] =	wrdreg $0xC0  }
0xab: {  	_ =	task [dreg:s7], $0x5FFFF  }
0xac: {  	[dreg:$0x1] =	wrdreg $0xFFFFFFFF  }
0xad: {  	[dreg:$0x0] =	wrdreg $0x60  }
0xae: {  	[dreg:$0x2] =	wrdreg s24  }
0xaf: {  	[dreg:$0x3] =	wrdreg s2  }
0xb0: {  	[dreg:$0x4] =	wrdreg $0x9  }
0xb1: {  	_ =	task.clear_ibuf [dreg:s7], $0x5FFFF;
	_ =	strace $0x90000049  }
0xb2: {  	s29 =	simm.s32 $0x9;
	_ =	strace $0x8000004B  }
0xb3: {  	_ =	swait.ge [sflag:s29], $0x1  }
0xb4: {  	[sflag:s29] =	ssyncadd.s32 $0xFFFFFFFF  }
0xb5: {  	_ =	strace $0x9000004B  }
0xb6: {  	_ =	sfence  }
0xb7: {  	s30 =	sld [smem:$0x0];
	_ =	sdelay $0x2  }
0xb8: {  	s31 =	sshll.u32 s1, $0xD;
	s1 =	sshrl.u32 s1, $0x2  }
0xb9: {  	s3 =	sand.u32 $0x4000, s31;
	s1 =	sadd.s32 s1, s30  }
0xba: {  	s0 =	sor.u32 s3, s0;
	s1 =	sshll.u32 s1, $0x11  }
0xbb: {  	s0 =	sor.u32 s1, s0  }
0xbc: {  	s0 =	sadd.s32 $0x8F2B, s0  }
0xbd: {  	[sflag:s0] =	ssyncadd.remote.s32 $0x1  }
0xbe: {  	_ =	sfence.sel $0xFFFF  }
0xbf: {  	[dreg:$0x0] =	wrdreg $0xFFFFFFFF;
	(pc) =	sbr.abs _section_cstart, $3  }
0xc0: {  	[dreg:$0x1] =	wrdreg $0xFFFFFFFF  }
0xc1: {  	_ =	task.clear_ibuf [dreg:s7], $0x2FFFF;
	_ =	strace $0x9FFFFFFF  }
0xc2: {  	(tm) =	ssettm $0x7FFFFFFF  }
0xc3: {  	_ =	shalt  }
tec
execute0_lowered:
.L_overlay_start_1:
0x0: {  	(tag) =	ssettag $0x1  }
0x1: {  	s0 =	srdreg.scid;
	s1 =	rddreg [dreg:$0x0]  }
0x2: {  	s13 =	stileid.u32;
	s5 =	rddreg [dreg:$0x1];
	s17 =	simm.s32 $0x7  }
0x3: {  	s18 =	simm.s32 $0x80;
	s19 =	simm.s32 $0x1900;
	s20 =	simm.s32 $0xD900  }
0x4: {  	s21 =	simm.s32 $0x5900;
	s22 =	simm.s32 $0x11900;
	s23 =	simm.s32 $0x100  }
0x5: {  	s28 =	simm.s32 $0x4;
	s29 =	simm.s32 $0x2;
	s9 =	smul.u32 $0x3200, s13  }
0x6: {  	s30 =	simm.s32 $0x5;
	s0 =	sand.u32 $0x1, s0;
	s15 =	smul.u32 $0x32000, s13  }
0x7: {  	s31 =	simm.s32 $0x3;
	s2 =	sshll.u32 s13, $0x1;
	s11 =	smul.u32 $0x1900, s0  }
0x8: {  	s6 =	sor.u32 s0, s2;
	s8 =	ssub.s32 $0x2, s0;
	s0 =	smul.u32 $0x19000, s0  }
0x9: {  	s3 =	sadd.s32 $0x1600, s1;
	s2 =	simm.s32 $0x0;
	s4 =	smul.u32 $0x1900, s6  }
0xa: {  	[smem:$0x7FF] =	sst s2;
	s6 =	smul.u32 $0xC8000, s6;
	s10 =	sshrl.u32 s8, $0x1  }
0xb: {  	_ =	strace $0x8000004A;
	s10 =	ssub.s32 s8, s10;
	s9 =	sadd.s32 s11, s9  }
0xc: {  	s7 =	sshrl.u32 s4, $0x3;
	s4 =	sadd.s32 $0x314E00, s1;
	s6 =	sshrl.u32 s6, $0x3  }
0xd: {  	s12 =	sshll.u32 s9, $0x4;
	s10 =	smax.u32 s10, $0x1;
	s7 =	sadd.s32 s7, s1  }
0xe: {  	s1 =	sadd.s32 $0x49B800, s1;
	s24 =	sadd.s32 $0x18000, s6;
	s6 =	sadd.s32 $0x18800, s6  }
0xf: {  	s26 =	sadd.s32 $0x1000, s12;
	s14 =	sor.u32 $0x800, s12;
	s7 =	sadd.s32 $0x188000, s7  }
0x10: {  	s25 =	sadd.s32 s5, s24;
	s8 =	sadd.s32 s5, s6;
	s9 =	sadd.s32 s1, s6  }
0x11: {  	s11 =	sadd.s32 s26, s5;
	s12 =	sadd.s32 s26, s1;
	s13 =	sadd.s32 s14, s5  }
.Ltmp0:
0x12: {  	s14 =	sadd.s32 s14, s1;
	[dreg:$0x3] =	wrdreg s7;
	(pc) =	sbr.rel .LBB2_1-.Ltmp0, $4  }
0x13: {  	s5 =	sadd.s32 s15, s5;
	s26 =	simm.s32 $0x1;
	[dreg:$0x4] =	wrdreg s25  }
0x14: {  	s7 =	sadd.s32 s1, s24;
	s1 =	sadd.s32 s15, s1;
	s16 =	sadd.s32 s0, s5  }
0x15: {  	s24 =	simm.s32 $0x9900;
	s25 =	simm.s32 $0x15900;
	[dreg:$0x5] =	wrdreg s7  }
0x16: {  	s15 =	sadd.s32 s0, s1;
	s1 =	simm.s32 $0x6;
	s0 =	simm.s32 $0x0  }
.LBB2_4:
0x17: {  	_ =	swait.ge [sflag:s26], $0x4000  }
0x18: {  	[sflag:s26] =	ssyncset.done $0x0  }
0x19: {  	[sflag:s26] =	ssyncadd.s32 $0xFFFFC000  }
0x1a: {  	_ =	swait.ge [sflag:s26], $0x4000  }
0x1b: {  	[sflag:s26] =	ssyncset.done $0x0  }
0x1c: {  	s5 =	rddreg [dreg:$0x4];
	[sflag:s26] =	ssyncadd.s32 $0xFFFFC000  }
0x1d: {  	[hbm4b:s5+s2] =	stream.linear.scatter [tilespmem:s19], [sflag:$0x4], $0x4000, $0x38;
	[tilespmem:$0x19900] =	vst v63  }
0x1e: {  	s7 =	rddreg [dreg:$0x5]  }
0x1f: {  	[hbm4b:s7+s2] =	stream.linear.scatter [tilespmem:s20], [sflag:$0x4], $0x4000, $0x38;
	[tilespmem:$0x19900] =	vst v63  }
0x20: {  	_ =	swait.ge [sflag:s29], $0x4000  }
0x21: {  	[sflag:s29] =	ssyncset.done $0x0  }
0x22: {  	[sflag:s29] =	ssyncadd.s32 $0xFFFFC000  }
0x23: {  	_ =	swait.ge [sflag:s29], $0x4000  }
0x24: {  	[sflag:s29] =	ssyncset.done $0x0  }
0x25: {  	[sflag:s29] =	ssyncadd.s32 $0xFFFFC000  }
0x26: {  	[hbm4b:s8+s2] =	stream.linear.scatter [tilespmem:s21], [sflag:$0x5], $0x4000, $0x38;
	[tilespmem:$0x19900] =	vst v63  }
0x27: {  	_ = 	snop  }
0x28: {  	[hbm4b:s9+s2] =	stream.linear.scatter [tilespmem:s22], [sflag:$0x5], $0x4000, $0x38;
	[tilespmem:$0x19900] =	vst v63  }
0x29: {  	_ =	swait.ge [sflag:s28], $0x4000  }
0x2a: {  	[sflag:s28] =	ssyncset.done $0x0  }
0x2b: {  	[sflag:s28] =	ssyncadd.s32 $0xFFFFC000  }
0x2c: {  	_ =	swait.ge [sflag:s28], $0x4000  }
0x2d: {  	[sflag:s28] =	ssyncset.done $0x0  }
0x2e: {  	[sflag:s28] =	ssyncadd.s32 $0xFFFFC000  }
0x2f: {  	_ =	swait.ge [sflag:s30], $0x4000  }
0x30: {  	[sflag:s30] =	ssyncset.done $0x0  }
0x31: {  	[sflag:s30] =	ssyncadd.s32 $0xFFFFC000  }
0x32: {  	_ =	swait.ge [sflag:s30], $0x4000  }
0x33: {  	[sflag:s30] =	ssyncset.done $0x0  }
0x34: {  	s0 =	sadd.s32 $0x1, s0;
	[sflag:s30] =	ssyncadd.s32 $0xFFFFC000  }
0x35: {  	p0 =	sne.s32 s0, s10;
	_ =	swait.ge [sflag:s1], $0x4000  }
.Ltmp1:
0x36: {  	[sflag:s1] =	ssyncset.done $0x0;
	(pc) =	sbr.rel @!p0 .LBB2_5-.Ltmp1, $4  }
0x37: {  	[sflag:s1] =	ssyncadd.s32 $0xFFFFC000  }
0x38: {  	_ =	swait.ge [sflag:s1], $0x4000  }
0x39: {  	[sflag:s1] =	ssyncset.done $0x0  }
0x3a: {  	[sflag:s1] =	ssyncadd.s32 $0xFFFFC000  }
.LBB2_1:
0x3b: {  	s5 =	rddreg [dreg:$0x3]  }
0x3c: {  	[tilespmem:s2], [sflag:$0x7] =	stream.linear.gather [hbm4b:s5+s2], $0x1900, $0x38;
	[tilespmem:$0x19900] =	vst v63  }
0x3d: {  	_ =	swait.ge [sflag:s17], $0x1900  }
0x3e: {  	[sflag:s17] =	ssyncset.done $0x0  }
0x3f: {  	[sflag:s17] =	ssyncadd.s32 $0xFFFFE700  }
0x40: {  	[tilespmem:s19], [sflag:$0x1] =	stream.indirect.gather [hbm4b:s3+s18], $0x80, s2, s18, $0xb8;
	[tilespmem:$0x19900] =	vst v63  }
0x41: {  	_ = 	snop  }
0x42: {  	[tilespmem:s20], [sflag:$0x1] =	stream.indirect.gather [hbm4b:s4+s18], $0x80, s2, s18, $0xb8;
	[tilespmem:$0x19900] =	vst v63  }
0x43: {  	_ = 	snop  }
0x44: {  	[tilespmem:s21], [sflag:$0x2] =	stream.indirect.gather [hbm4b:s3+s18], $0x80, s18, s18, $0xb8;
	[tilespmem:$0x19900] =	vst v63  }
0x45: {  	_ = 	snop  }
0x46: {  	[tilespmem:s22], [sflag:$0x2] =	stream.indirect.gather [hbm4b:s4+s18], $0x80, s18, s18, $0xb8;
	[tilespmem:$0x19900] =	vst v63  }
0x47: {  	_ = 	snop  }
0x48: {  	[tilespmem:s24], [sflag:$0x3] =	stream.indirect.gather [hbm4b:s3+s18], $0x80, s23, s18, $0xb8;
	[tilespmem:$0x19900] =	vst v63  }
0x49: {  	s6 =	simm.s32 $0x0;
	s5 =	simm.s32 $0x280  }
0x4a: {  	[tilespmem:s25], [sflag:$0x3] =	stream.indirect.gather [hbm4b:s4+s18], $0x80, s23, s18, $0xb8;
	[tilespmem:$0x19900] =	vst v63  }
.LBB2_2:
0x4b: {  	_ =	swait.ge [sflag:s26], $0x4000  }
0x4c: {  	[sflag:s26] =	ssyncset.done $0x0  }
0x4d: {  	[sflag:s26] =	ssyncadd.s32 $0xFFFFC000  }
0x4e: {  	_ =	swait.ge [sflag:s26], $0x4000  }
0x4f: {  	[sflag:s26] =	ssyncset.done $0x0  }
0x50: {  	s7 =	sadd.s32 s6, s16;
	[sflag:s26] =	ssyncadd.s32 $0xFFFFC000  }
0x51: {  	[hbm4b:s7+s2] =	stream.linear.scatter [tilespmem:s19], [sflag:$0x4], $0x4000, $0x38;
	[tilespmem:$0x19900] =	vst v63  }
0x52: {  	s7 =	sadd.s32 s6, s15  }
0x53: {  	[hbm4b:s7+s2] =	stream.linear.scatter [tilespmem:s20], [sflag:$0x4], $0x4000, $0x38;
	[tilespmem:$0x19900] =	vst v63  }
0x54: {  	_ =	swait.ge [sflag:s28], $0x4000  }
0x55: {  	[sflag:s28] =	ssyncset.done $0x0  }
0x56: {  	[sflag:s28] =	ssyncadd.s32 $0xFFFFC000  }
0x57: {  	_ =	swait.ge [sflag:s28], $0x4000  }
0x58: {  	[sflag:s28] =	ssyncset.done $0x0  }
0x59: {  	s7 =	sadd.s32 $0xFFFFFF00, s5;
	[sflag:s28] =	ssyncadd.s32 $0xFFFFC000  }
0x5a: {  	[tilespmem:s19], [sflag:$0x1] =	stream.indirect.gather [hbm4b:s3+s18], $0x80, s7, s18, $0xb8;
	[tilespmem:$0x19900] =	vst v63  }
0x5b: {  	_ = 	snop  }
0x5c: {  	[tilespmem:s20], [sflag:$0x1] =	stream.indirect.gather [hbm4b:s4+s18], $0x80, s7, s18, $0xb8;
	[tilespmem:$0x19900] =	vst v63  }
0x5d: {  	_ =	swait.ge [sflag:s29], $0x4000  }
0x5e: {  	[sflag:s29] =	ssyncset.done $0x0  }
0x5f: {  	[sflag:s29] =	ssyncadd.s32 $0xFFFFC000  }
0x60: {  	_ =	swait.ge [sflag:s29], $0x4000  }
0x61: {  	[sflag:s29] =	ssyncset.done $0x0  }
0x62: {  	s7 =	sadd.s32 s6, s13;
	[sflag:s29] =	ssyncadd.s32 $0xFFFFC000  }
0x63: {  	[hbm4b:s7+s2] =	stream.linear.scatter [tilespmem:s21], [sflag:$0x5], $0x4000, $0x38;
	[tilespmem:$0x19900] =	vst v63  }
0x64: {  	s7 =	sadd.s32 s6, s14  }
0x65: {  	[hbm4b:s7+s2] =	stream.linear.scatter [tilespmem:s22], [sflag:$0x5], $0x4000, $0x38;
	[tilespmem:$0x19900] =	vst v63  }
0x66: {  	_ =	swait.ge [sflag:s30], $0x4000  }
0x67: {  	[sflag:s30] =	ssyncset.done $0x0  }
0x68: {  	[sflag:s30] =	ssyncadd.s32 $0xFFFFC000  }
0x69: {  	_ =	swait.ge [sflag:s30], $0x4000  }
0x6a: {  	[sflag:s30] =	ssyncset.done $0x0  }
0x6b: {  	s7 =	sadd.s32 $0xFFFFFF80, s5;
	[sflag:s30] =	ssyncadd.s32 $0xFFFFC000  }
0x6c: {  	[tilespmem:s21], [sflag:$0x2] =	stream.indirect.gather [hbm4b:s3+s18], $0x80, s7, s18, $0xb8;
	[tilespmem:$0x19900] =	vst v63  }
0x6d: {  	_ = 	snop  }
0x6e: {  	[tilespmem:s22], [sflag:$0x2] =	stream.indirect.gather [hbm4b:s4+s18], $0x80, s7, s18, $0xb8;
	[tilespmem:$0x19900] =	vst v63  }
0x6f: {  	_ =	swait.ge [sflag:s31], $0x4000  }
0x70: {  	[sflag:s31] =	ssyncset.done $0x0  }
0x71: {  	[sflag:s31] =	ssyncadd.s32 $0xFFFFC000  }
0x72: {  	p0 =	seq.s32 s6, $0x16800;
	_ =	swait.ge [sflag:s31], $0x4000  }
.Ltmp2:
0x73: {  	[sflag:s31] =	ssyncset.done $0x0;
	(pc) =	sbr.rel @p0 .LBB2_4-.Ltmp2, $4  }
0x74: {  	s7 =	sadd.s32 s6, s11;
	[sflag:s31] =	ssyncadd.s32 $0xFFFFC000  }
0x75: {  	[hbm4b:s7+s2] =	stream.linear.scatter [tilespmem:s24], [sflag:$0x6], $0x4000, $0x38;
	[tilespmem:$0x19900] =	vst v63  }
0x76: {  	s7 =	sadd.s32 s6, s12  }
0x77: {  	[hbm4b:s7+s2] =	stream.linear.scatter [tilespmem:s25], [sflag:$0x6], $0x4000, $0x38;
	[tilespmem:$0x19900] =	vst v63  }
0x78: {  	_ =	swait.ge [sflag:s1], $0x4000  }
0x79: {  	[sflag:s1] =	ssyncset.done $0x0  }
0x7a: {  	[sflag:s1] =	ssyncadd.s32 $0xFFFFC000  }
0x7b: {  	_ =	swait.ge [sflag:s1], $0x4000  }
0x7c: {  	[sflag:s1] =	ssyncset.done $0x0  }
.Ltmp3:
0x7d: {  	[sflag:s1] =	ssyncadd.s32 $0xFFFFC000;
	(pc) =	sbr.rel .LBB2_2-.Ltmp3, $4  }
0x7e: {  	[tilespmem:s24], [sflag:$0x3] =	stream.indirect.gather [hbm4b:s3+s18], $0x80, s5, s18, $0xb8;
	[tilespmem:$0x19900] =	vst v63  }
0x7f: {  	_ = 	snop  }
0x80: {  	[tilespmem:s25], [sflag:$0x3] =	stream.indirect.gather [hbm4b:s4+s18], $0x80, s5, s18, $0xb8;
	[tilespmem:$0x19900] =	vst v63  }
0x81: {  	s6 =	sadd.s32 $0x1800, s6;
	s5 =	sadd.s32 $0x180, s5  }
.LBB2_5:
0x82: {  	_ =	sfence.sel $0x180000  }
0x83: {  	[bflag:$0x0] =	sbarrier.arrive $0xFFFF  }
0x84: {  	_ =	strace $0x9000004A  }
0x85: {  	s0 =	stileid.u32;
	[bflag:$0x2] =	sbarrier.arrive $0xFFFF  }
0x86: {  	p0 =	sne.s32 s0, $0x0;
	s0 =	rddreg [dreg:$0x2]  }
0x87: {  	s0 =	sadd.s32 @!p0 $0x100000, s0  }
0x88: {  	[sflag:s0] =	ssyncadd.tile.s32 @!p0 $0x1;
	_ =	shalt  }
.Lfunc_end2:
_tile_overlayer_lowered:
.L_overlay_start_2:
0x89: {  	(tag) =	ssettag $0x2  }
0x8a: {  	s0 =	rddreg [dreg:$0x0];
	s2 =	stileid.u32  }
0x8b: {  	s1 =	rddreg [dreg:$0x1];
	p0 =	sne.s32 s2, $0x0  }
0x8c: {  	s3 =	rddreg [dreg:$0x2];
	[bflag:$0x3] =	sbarrier.arrive $0xFFFF;
	s2 =	simm.s32 @!p0 $0x1C07  }
0x8d: {  	[timem:s3], [sflag:s2] =	dma.local @!p0 [hbm:s0], s1  }
0x8e: {  	s0 =	simm.s32 @!p0 $0x7  }
0x8f: {  	_ =	swait.ge @!p0 [sflag:s0], s1  }
0x90: {  	s1 =	ssub.s32 @!p0 $0x0, s1;
	[sflag:s0] =	ssyncset.done @!p0 $0x0  }
0x91: {  	[sflag:s0] =	ssyncadd.s32 @!p0 s1  }
0x92: {  	[bflag:$0x3] =	sbarrier.arrive $0xFFFF  }
0x93: {  	_ =	shalt  }

// kernel: sparse-core-data-format-call.1.cloned.1.call-start
scs
called_computation.1_lowered:
.L_overlay_start_0:
0x0: {  	s2 =	sld [smem:$0x3FD9]  }
0x1: {  	s3 =	sld [smem:$0x3FFE];
	_ =	sdelay $0x1  }
0x2: {  	s1 =	srdreg.scid  }
0x3: {  	s0 =	sand.u32 $0x1, s1  }
0x4: {  	s18 =	sshll.u32 s0, $0xA;
	s2 =	sadd.s32 s3, s2  }
0x5: {  	s2 =	sadd.s32 s2, s18  }
0x6: {  	[smem:$0x3FC6] =	sst s2  }
0x7: {  	_ = 	snop  }
0x8: {  	s2 =	sld [smem:$0x3FD0];
	(tm) =	ssettm $0x1  }
0x9: {  	s19 =	sld [smem:$0x3FFB];
	_ =	sdelay $0x3  }
0xa: {  	_ =	strace s19  }
0xb: {  	s3 =	sld [smem:$0x3FFC];
	_ =	sdelay $0x3  }
0xc: {  	_ =	strace s3  }
0xd: {  	s3 =	sld [smem:$0x3FFD];
	_ =	sdelay $0x3  }
0xe: {  	_ =	strace s3  }
0xf: {  	_ =	strace $0x8FFFFFFF  }
0x10: {  	s20 =	sld [smem:$0x3FDB];
	_ =	sdelay $0x1  }
0x11: {  	s4 =	simm.s32 $_scs_section_size  }
0x12: {  	s5 =	simm.s32 $_size__tile_overlayer_lowered;
	s6 =	simm.s32 $_tile_overlayer_lowered  }
0x13: {  	s23 =	simm.s32 $0x1BFF;
	s22 =	sshll.u32 s6, $0x1;
	s3 =	sadd.s32 s4, s20  }
0x14: {  	s7 =	simm.s32 $0x0;
	s21 =	sshll.u32 s5, $0x1;
	s5 =	sadd.s32 s22, s3  }
0x15: {  	[timem:s7], [sflag:s23] =	dma.local [hbm:s5], s21  }
0x16: {  	_ =	swait.ge [sflag:s23], s21  }
0x17: {  	s4 =	ssub.s32 $0x0, s21;
	[sflag:s23] =	ssyncset.done $0x0  }
0x18: {  	[sflag:s23] =	ssyncadd.s32 s4;
	_ =	sdelay $0x1  }
0x19: {  	s24 =	simm.s32 $0x1B8B  }
0x1a: {  	_ =	swait.ge [sflag:s24], $0x1  }
0x1b: {  	[sflag:s24] =	ssyncset.done $0x0  }
0x1c: {  	s26 =	simm.s32 $0x1B8E;
	s25 =	sld [smem:$0x3FFE];
	[sflag:s24] =	ssyncadd.s32 $0xFFFFFFFF  }
0x1d: {  	s27 =	simm.s32 $execute0_lowered;
	[smem:$0x3FD2] =	sst s26  }
0x1e: {  	s5 =	sshll.u32 s27, $0x1;
	_ =	strace $0x80000046;
	[dreg:$0x1] =	wrdreg $0xFFFFFFFF  }
0x1f: {  	s28 =	simm.s32 $_size_execute0_lowered;
	s3 =	sadd.s32 s3, s5;
	[dreg:$0x0] =	wrdreg $0x0  }
0x20: {  	s5 =	sshll.u32 s28, $0x1;
	[dreg:$0x2] =	wrdreg s3  }
0x21: {  	[dreg:$0x3] =	wrdreg s5  }
0x22: {  	[dreg:$0x4] =	wrdreg $0xC0  }
0x23: {  	_ =	task [dreg:s7], $0x5FFFF  }
0x24: {  	[dreg:$0x1] =	wrdreg $0xFFFFFFFF  }
0x25: {  	[dreg:$0x0] =	wrdreg $0x60  }
0x26: {  	[dreg:$0x2] =	wrdreg s2  }
0x27: {  	[dreg:$0x3] =	wrdreg s25  }
0x28: {  	[dreg:$0x4] =	wrdreg $0x9  }
0x29: {  	_ =	task.clear_ibuf [dreg:s7], $0x5FFFF;
	_ =	strace $0x90000046  }
0x2a: {  	s29 =	simm.s32 $0x9;
	_ =	strace $0x80000048  }
0x2b: {  	_ =	swait.ge [sflag:s29], $0x1  }
0x2c: {  	[sflag:s29] =	ssyncadd.s32 $0xFFFFFFFF  }
0x2d: {  	_ =	strace $0x90000048  }
0x2e: {  	_ =	sfence  }
0x2f: {  	s30 =	sld [smem:$0x0];
	_ =	sdelay $0x2  }
0x30: {  	s31 =	sshll.u32 s1, $0xD;
	s1 =	sshrl.u32 s1, $0x2  }
0x31: {  	s3 =	sand.u32 $0x4000, s31;
	s1 =	sadd.s32 s1, s30  }
0x32: {  	s0 =	sor.u32 s3, s0;
	s1 =	sshll.u32 s1, $0x11  }
0x33: {  	s0 =	sor.u32 s1, s0  }
0x34: {  	s0 =	sadd.s32 $0x8F2B, s0  }
0x35: {  	[sflag:s0] =	ssyncadd.remote.s32 $0x1  }
0x36: {  	_ =	sfence.sel $0xFFFF  }
0x37: {  	[dreg:$0x0] =	wrdreg $0xFFFFFFFF;
	(pc) =	sbr.abs _section_cstart, $3  }
0x38: {  	[dreg:$0x1] =	wrdreg $0xFFFFFFFF  }
0x39: {  	_ =	task.clear_ibuf [dreg:s7], $0x2FFFF;
	_ =	strace $0x9FFFFFFF  }
0x3a: {  	(tm) =	ssettm $0x7FFFFFFF  }
0x3b: {  	_ =	shalt  }
tec
execute0_lowered:
.L_overlay_start_1:
0x0: {  	(tag) =	ssettag $0x1  }
0x1: {  	s2 =	rddreg [dreg:$0x0]  }
0x2: {  	s0 =	srdreg.scid;
	s4 =	rddreg [dreg:$0x1]  }
0x3: {  	s1 =	stileid.u32;
	s5 =	simm.s32 $0x1;
	s7 =	simm.s32 $0x2  }
0x4: {  	s14 =	simm.s32 $0x0;
	p0 =	por $0x0, $0x0;
	s0 =	sshll.u32 s0, $0x4  }
0x5: {  	s13 =	simm.s32 $0x0;
	s8 =	simm.s32 $0x0;
	s3 =	sand.u32 $0x10, s0  }
.Ltmp0:
0x6: {  	s9 =	simm.s32 $0x0;
	s3 =	sor.u32 s1, s3;
	(pc) =	sbr.rel .LBB1_1-.Ltmp0, $4  }
0x7: {  	s11 =	simm.s32 $0x0;
	s12 =	simm.s32 $0x0;
	s3 =	sshll.u32 s3, $0x7  }
0x8: {  	s0 =	rddreg [dreg:$0x2];
	_ =	strace $0x80000047;
	s6 =	ssub.s32 $0x18680, s3  }
0x9: {  	s4 =	sadd.s32 $0x1600, s4;
	[sflag:s5] =	ssyncpa.u1 $0x0;
	s6 =	sshrl.u32 s6, $0xC  }
0xa: {  	[sflag:s7] =	ssyncpa.u1 $0x0;
	s10 =	smov.u32 s3;
	s7 =	sadd.s32 $0x2, s6  }
.LBB1_5:
0xb: {  	p1 =	slt.u32 s12, $0x2  }
0xc: {  	p2 =	sgt.s32 @!p1 s14, $0x18620  }
0xd: {  	s15 =	smov.u32 s14;
	s16 =	sshra.s32 @!p1 s14, $0x1F;
	p2 =	por !p2, p1  }
0xe: {  	s14 =	sand.u32 @!p1 s16, s14;
	s15 =	simm.s32 @p2 $0x18620  }
0xf: {  	s14 =	ssub.s32 @!p1 s15, s14;
	s15 =	ssub.s32 @!p1 $0x0, s13  }
0x10: {  	s17 =	smov.u32 s11;
	s16 =	sadd.s32 @!p1 $0xFFFE79E0, s14;
	s13 =	smin.u32 @!p1 s13, s15  }
0x11: {  	s14 =	ssub.s32 @!p1 $0x186A0, s14;
	p2 =	sgt.s32 @!p1 s16, $0x7F;
	p3 =	sgt.s32 @!p1 s13, $0x7F  }
0x12: {  	s13 =	ssub.s32 @!p1 $0x80, s13;
	p2 =	por !p2, p1;
	p3 =	por !p3, p1  }
0x13: {  	s15 =	sadd.s32 $0x1000, s10;
	s14 =	simm.s32 @!p2 $0x0;
	s13 =	simm.s32 @!p3 $0x0  }
0x14: {  	p2 =	sgt.s32 s15, $0x1869F;
	s13 =	smul.u32 @!p1 s13, s14;
	s14 =	sadd.s32 $0x80, s11  }
0x15: {  	s17 =	smov.u32 @p2 s14  }
0x16: {  	s15 =	smov.u32 @p2 s3;
	p2 =	sgt.s32 s17, $0x7F  }
0x17: {  	s17 =	simm.s32 @p2 $0x0;
	p2 =	sne.s32 s12, s7  }
.Ltmp1:
0x18: {  	p0 =	por !p0, !p0;
	s16 =	simm.s32 @!p1 $0x2;
	(pc) =	sbr.rel @!p2 .LBB1_6-.Ltmp1, $4  }
0x19: {  	s14 =	smov.u32 s8;
	s8 =	smov.u32 s10;
	s13 =	sand.u32 @!p1 $0x3FFFFFFF, s13  }
0x1a: {  	s10 =	smov.u32 s15;
	_ =	swait.ge @!p1 [sflag:s16], s13;
	s18 =	ssub.s32 @!p1 $0x0, s13  }
0x1b: {  	s13 =	smov.u32 s9;
	s12 =	sadd.s32 $0x1, s12;
	[sflag:s16] =	ssyncset.done @!p1 $0x0  }
0x1c: {  	s9 =	smov.u32 s11;
	s11 =	smov.u32 s17;
	[sflag:s16] =	ssyncadd.s32 @!p1 s18  }
.LBB1_1:
0x1d: {  	p1 =	sgt.u32 s12, s6  }
0x1e: {  	s15 =	sshrl.u32 @!p1 s11, $0x3  }
0x1f: {  	s16 =	sshll.u32 @!p1 s10, $0x3;
	s15 =	smul.u32 @!p1 $0xC3800, s15  }
0x20: {  	s17 =	sshll.u32 @!p1 s11, $0x7;
	s16 =	sand.u32 @!p1 $0xFFFFFC00, s16  }
0x21: {  	s15 =	sadd.s32 @!p1 s15, s16;
	s16 =	sand.u32 @!p1 $0x380, s17  }
0x22: {  	s17 =	sand.u32 @!p1 $0x7F, s10;
	s15 =	sor.u32 @!p1 s16, s15  }
0x23: {  	s16 =	sor.u32 @!p1 s17, s15  }
0x24: {  	s17 =	smulhi.u32 @!p1 $0xA79C7B17, s16;
	_ =	sdelay $0x1  }
0x25: {  	s15 =	smulhi.u32 @!p1 $0xA79C7B17, s15;
	s17 =	sshrl.u32 @!p1 s17, $0x10  }
0x26: {  	s17 =	smul.u32 @!p1 $0x18700, s17  }
0x27: {  	s18 =	sxor.u32 @!p1 $0xFFFFFFFF, s12;
	s15 =	sshrl.u32 @!p1 s15, $0x10  }
0x28: {  	s18 =	sshll.u32 @!p1 s18, $0xE;
	s15 =	sand.u32 @!p1 $0x7F, s15;
	s16 =	ssub.s32 @!p1 s16, s17  }
0x29: {  	s15 =	smul.u32 @!p1 $0x30E0, s15;
	s17 =	sshrl.u32 @!p1 s16, $0x3;
	s16 =	sand.u32 @!p1 $0x7, s16  }
0x2a: {  	s18 =	sand.u32 @!p1 $0x4000, s18;
	s17 =	sadd.s32 @!p1 s2, s17;
	s16 =	sshll.u32 @!p1 s16, $0x12  }
0x2b: {  	s15 =	sadd.s32 @!p1 s15, s17;
	s16 =	sor.u32 @!p1 $0x400, s16;
	s17 =	simm.s32 @!p1 $0xC3800  }
0x2c: {  	[tilespmem:s18], [sflag:$0x1] =	stream.strided.gather @!p1 [hbm4b:s15+s16], $0x4000, s17, s16, $0x38;
	[tilespmem:$0x10100] =	vst v63  }
0x2d: {  	p1 =	seq.s32 s12, $0x0  }
0x2e: {  	p2 =	sge.u32 @!p1 s12, s7  }
0x2f: {  	p1 =	por p1, p2  }
.Ltmp2:
0x30: {  	_ = 	snop;
	(pc) =	sbr.rel @p1 .LBB1_5-.Ltmp2, $1  }
0x31: {  	_ =	sdelay $0x3  }
0x32: {  	s15 =	simm.s32 $0x1  }
0x33: {  	_ =	swait.ge [sflag:s5], $0x4000;
	s15 =	simm.s32 @!p0 $0x0  }
0x34: {  	[sflag:s5] =	ssyncset.done $0x0;
	s16 =	sshll.u32 s15, $0xE  }
0x35: {  	[sflag:s5] =	ssyncadd.s32 $0xFFFFC000;
	s16 =	sor.u32 $0x40, s16  }
0x36: {  	s15 =	smul.u32 $0x10200, s15;
	v0 =	vld [tilespmem:s16+$0x30]  }
0x37: {  	v1 =	vld [tilespmem:s16+$0xFFFFFFD0]  }
0x38: {  	s15 =	sshrl.u32 s15, $0x2;
	v5 =	vld [tilespmem:s16+$0xFFFFFFE0]  }
0x39: {  	v6 =	vld [tilespmem:s16+$0xFFFFFFF0];
	s18 =	sor.u32 $0x8000, s15  }
0x3a: {  	s31 =	sand.u32 $0x1, s12;
	v4 =	vld [tilespmem:s16+$0x0];
	s17 =	sadd.s32 $0x0, s18  }
0x3b: {  	v3 =	vld [tilespmem:s16+$0x10];
	s15 =	smul.u32 $0x10200, s31;
	[tilespmem:s17+$0x3870 ss:$0x81] =	vst.msk $0xffff, v0  }
0x3c: {  	v2 =	vld [tilespmem:s16+$0x20];
	[tilespmem:s17+$0x810 ss:$0x81] =	vst.msk $0xffff, v1  }
0x3d: {  	s15 =	sshrl.u32 s15, $0x2;
	v0 =	vld [tilespmem:s16+$0xFFFFFFC0];
	[tilespmem:s17+$0x1020 ss:$0x81] =	vst.msk $0xffff, v5;
	s16 =	sadd.s32 $0x80, s16  }
0x3e: {  	s19 =	simm.s32 $0x4;
	s20 =	simm.s32 $0x8;
	s15 =	sor.u32 $0x8000, s15;
	[tilespmem:s17+$0x1830 ss:$0x81] =	vst.msk $0xffff, v6;
	v1 =	vld [tilespmem:s16+$0x30]  }
.LBB1_3:
0x3f: {  	p1 =	sne.s32 s20, $0x1FC;
	v5 =	vld [tilespmem:s16+$0xFFFFFFD0];
	[tilespmem:s17+$0x2040 ss:$0x81] =	vst.msk $0xffff, v4  }
0x40: {  	v6 =	vld [tilespmem:s16+$0xFFFFFFE0];
	[tilespmem:s17+$0x2850 ss:$0x81] =	vst.msk $0xffff, v3  }
0x41: {  	s21 =	sshra.s32 s19, $0x2;
	s19 =	smov.u32 s20;
	v7 =	vld [tilespmem:s16+$0xFFFFFFF0];
	[tilespmem:s17+$0x3060 ss:$0x81] =	vst.msk $0xffff, v2  }
.Ltmp3:
0x42: {  	v4 =	vld [tilespmem:s16+$0x0];
	[tilespmem:s17+$0x0 ss:$0x81] =	vst.msk $0xffff, v0;
	s17 =	sadd.s32 s21, s18;
	(pc) =	sbr.rel @p1 .LBB1_3-.Ltmp3, $4  }
0x43: {  	v3 =	vld [tilespmem:s16+$0x10];
	[tilespmem:s17+$0x3870 ss:$0x81] =	vst.msk $0xffff, v1  }
0x44: {  	[tilespmem:s17+$0x810 ss:$0x81] =	vst.msk $0xffff, v5;
	v2 =	vld [tilespmem:s16+$0x20]  }
0x45: {  	v0 =	vld [tilespmem:s16+$0xFFFFFFC0];
	[tilespmem:s17+$0x1020 ss:$0x81] =	vst.msk $0xffff, v6;
	s16 =	sadd.s32 $0x80, s16  }
0x46: {  	s20 =	sadd.s32 $0x4, s20;
	v1 =	vld [tilespmem:s16+$0x30];
	[tilespmem:s17+$0x1830 ss:$0x81] =	vst.msk $0xffff, v7  }
0x47: {  	s20 =	sshll.u32 s8, $0x7;
	s21 =	sshll.u32 s9, $0x3;
	s19 =	sshra.s32 s19, $0x2  }
0x48: {  	v5 =	vld [tilespmem:s16+$0xFFFFFFD0];
	[tilespmem:s17+$0x2040 ss:$0x81] =	vst.msk $0xffff, v4;
	p1 =	sgt.s32 s8, $0x18620;
	s22 =	sand.u32 $0xFFFFFC00, s20;
	s21 =	sand.u32 $0xFFFFFC00, s21  }
0x49: {  	v58 =	vld [tilespmem:s16+$0xFFFFFFE0];
	s24 =	sshra.s32 s8, $0x1F;
	s20 =	sand.u32 $0x380, s20;
	[tilespmem:s17+$0x2850 ss:$0x81] =	vst.msk $0xffff, v3;
	s21 =	sadd.s32 s21, s22  }
0x4a: {  	v59 =	vld [tilespmem:s16+$0xFFFFFFF0];
	s26 =	ssub.s32 $0x0, s9;
	s18 =	sadd.s32 s19, s18;
	[tilespmem:s17+$0x3060 ss:$0x81] =	vst.msk $0xffff, v2;
	s23 =	sor.u32 s20, s21  }
0x4b: {  	v60 =	vld [tilespmem:s16+$0x0];
	s28 =	smin.u32 s9, s26;
	s20 =	smov.u32 s8;
	[tilespmem:s17+$0x0 ss:$0x81] =	vst.msk $0xffff, v0;
	s19 =	sshrl.u32 s23, $0x7  }
0x4c: {  	v61 =	vld [tilespmem:s16+$0x10];
	s21 =	sand.u32 s24, s8;
	s20 =	simm.s32 @!p1 $0x18620;
	[tilespmem:s18+$0x3870 ss:$0x81] =	vst.msk $0xffff, v1;
	s25 =	smulhi.u32 $0x14F8B59, s19  }
0x4d: {  	v62 =	vld [tilespmem:s16+$0x20];
	s29 =	sshrl.u32 s9, $0x3;
	p2 =	sgt.s32 s28, $0x7F;
	s20 =	ssub.s32 s20, s21;
	[tilespmem:s18+$0x810 ss:$0x81] =	vst.msk $0xffff, v5  }
0x4e: {  	v63 =	vld [tilespmem:s16+$0xFFFFFFC0];
	[tilespmem:s18+$0x1020 ss:$0x81] =	vst.msk $0xffff, v58;
	s21 =	sadd.s32 $0xFFFE79E0, s20;
	s20 =	ssub.s32 $0x186A0, s20;
	s17 =	sshrl.u32 s25, $0x9  }
0x4f: {  	[tilespmem:s18+$0x1830 ss:$0x81] =	vst.msk $0xffff, v59;
	p1 =	sgt.s32 s21, $0x7F;
	s27 =	smul.u32 $0x186A0, s17;
	s17 =	ssub.s32 $0x80, s28  }
.Ltmp4:
0x50: {  	[tilespmem:s18+$0x2040 ss:$0x81] =	vst.msk $0xffff, v60;
	s20 =	simm.s32 @p1 $0x0;
	s17 =	simm.s32 @p2 $0x0;
	(pc) =	sbr.rel .LBB1_5-.Ltmp4, $4  }
0x51: {  	s30 =	sand.u32 $0xF, s29;
	[tilespmem:s18+$0x2850 ss:$0x81] =	vst.msk $0xffff, v61;
	s16 =	ssub.s32 s19, s27;
	s17 =	smul.u32 s17, s20  }
0x52: {  	[tilespmem:s18+$0x3060 ss:$0x81] =	vst.msk $0xffff, v62;
	s19 =	sadd.s32 s4, s30;
	s16 =	sshll.u32 s16, $0x4  }
0x53: {  	s31 =	sand.u32 $0x7, s9;
	[tilespmem:s18+$0x0 ss:$0x81] =	vst.msk $0xffff, v63;
	s17 =	sand.u32 $0x3FFFFFFF, s17;
	s16 =	sadd.s32 s16, s19  }
0x54: {  	[hbm4b:s16+s31] =	stream.linear.scatter [tilespmem:s15], [sflag:$0x2], s17, $0x20;
	[tilespmem:$0x10100] =	vst v63  }
.LBB1_6:
0x55: {  	_ =	sfence.sel $0x180000  }
0x56: {  	s2 =	simm.s32 $0x1;
	[bflag:$0x0] =	sbarrier.arrive $0xFFFF  }
0x57: {  	s31 =	simm.s32 $0x2;
	[sflag:s2] =	ssyncpa.u1 $0x1  }
0x58: {  	[sflag:s31] =	ssyncpa.u1 $0x1  }
0x59: {  	p0 =	sne.s32 s1, $0x0;
	_ =	strace $0x90000047  }
0x5a: {  	s0 =	sadd.s32 @!p0 $0x100000, s0;
	[bflag:$0x2] =	sbarrier.arrive $0xFFFF  }
0x5b: {  	[sflag:s0] =	ssyncadd.tile.s32 @!p0 $0x1;
	_ =	shalt  }
.Lfunc_end1:
_tile_overlayer_lowered:
.L_overlay_start_2:
0x5c: {  	(tag) =	ssettag $0x2  }
0x5d: {  	s0 =	rddreg [dreg:$0x0];
	s2 =	stileid.u32  }
0x5e: {  	s1 =	rddreg [dreg:$0x1];
	p0 =	sne.s32 s2, $0x0  }
0x5f: {  	s3 =	rddreg [dreg:$0x2];
	[bflag:$0x3] =	sbarrier.arrive $0xFFFF;
	s2 =	simm.s32 @!p0 $0x1C01  }
0x60: {  	[timem:s3], [sflag:s2] =	dma.local @!p0 [hbm:s0], s1  }
0x61: {  	s0 =	simm.s32 @!p0 $0x1  }
0x62: {  	_ =	swait.ge @!p0 [sflag:s0], s1  }
0x63: {  	s1 =	ssub.s32 @!p0 $0x0, s1;
	[sflag:s0] =	ssyncset.done @!p0 $0x0  }
0x64: {  	[sflag:s0] =	ssyncadd.s32 @!p0 s1  }
0x65: {  	[bflag:$0x3] =	sbarrier.arrive $0xFFFF  }
0x66: {  	_ =	shalt  }

// kernel: sparse-core-data-format-call.cloned.1.call-start
scs
called_computation_lowered:
.L_overlay_start_0:
0x0: {  	s2 =	sld [smem:$0x3FD9]  }
0x1: {  	s3 =	sld [smem:$0x3FFE];
	_ =	sdelay $0x1  }
0x2: {  	s1 =	srdreg.scid  }
0x3: {  	s0 =	sand.u32 $0x1, s1  }
0x4: {  	s18 =	sshll.u32 s0, $0xA;
	s2 =	sadd.s32 s3, s2  }
0x5: {  	s2 =	sadd.s32 s2, s18  }
0x6: {  	[smem:$0x3FC6] =	sst s2  }
0x7: {  	_ = 	snop  }
0x8: {  	s2 =	sld [smem:$0x3FD0];
	(tm) =	ssettm $0x1  }
0x9: {  	s19 =	sld [smem:$0x3FFB];
	_ =	sdelay $0x3  }
0xa: {  	_ =	strace s19  }
0xb: {  	s3 =	sld [smem:$0x3FFC];
	_ =	sdelay $0x3  }
0xc: {  	_ =	strace s3  }
0xd: {  	s3 =	sld [smem:$0x3FFD];
	_ =	sdelay $0x3  }
0xe: {  	_ =	strace s3  }
0xf: {  	_ =	strace $0x8FFFFFFF  }
0x10: {  	s20 =	sld [smem:$0x3FDB];
	_ =	sdelay $0x1  }
0x11: {  	s4 =	simm.s32 $_scs_section_size  }
0x12: {  	s5 =	simm.s32 $_size__tile_overlayer_lowered;
	s6 =	simm.s32 $_tile_overlayer_lowered  }
0x13: {  	s23 =	simm.s32 $0x1BFF;
	s22 =	sshll.u32 s6, $0x1;
	s3 =	sadd.s32 s4, s20  }
0x14: {  	s7 =	simm.s32 $0x0;
	s21 =	sshll.u32 s5, $0x1;
	s5 =	sadd.s32 s22, s3  }
0x15: {  	[timem:s7], [sflag:s23] =	dma.local [hbm:s5], s21  }
0x16: {  	_ =	swait.ge [sflag:s23], s21  }
0x17: {  	s4 =	ssub.s32 $0x0, s21;
	[sflag:s23] =	ssyncset.done $0x0  }
0x18: {  	[sflag:s23] =	ssyncadd.s32 s4;
	_ =	sdelay $0x1  }
0x19: {  	s24 =	simm.s32 $0x1B8B  }
0x1a: {  	_ =	swait.ge [sflag:s24], $0x1  }
0x1b: {  	[sflag:s24] =	ssyncset.done $0x0  }
0x1c: {  	s26 =	simm.s32 $0x1B8E;
	s25 =	sld [smem:$0x3FFE];
	[sflag:s24] =	ssyncadd.s32 $0xFFFFFFFF  }
0x1d: {  	s27 =	simm.s32 $execute0_lowered;
	[smem:$0x3FD2] =	sst s26  }
0x1e: {  	s5 =	sshll.u32 s27, $0x1;
	_ =	strace $0x8000004C;
	[dreg:$0x1] =	wrdreg $0xFFFFFFFF  }
0x1f: {  	s28 =	simm.s32 $_size_execute0_lowered;
	s3 =	sadd.s32 s3, s5;
	[dreg:$0x0] =	wrdreg $0x0  }
0x20: {  	s5 =	sshll.u32 s28, $0x1;
	[dreg:$0x2] =	wrdreg s3  }
0x21: {  	[dreg:$0x3] =	wrdreg s5  }
0x22: {  	[dreg:$0x4] =	wrdreg $0xC0  }
0x23: {  	_ =	task [dreg:s7], $0x5FFFF  }
0x24: {  	[dreg:$0x1] =	wrdreg $0xFFFFFFFF  }
0x25: {  	[dreg:$0x0] =	wrdreg $0x60  }
0x26: {  	[dreg:$0x2] =	wrdreg s25  }
0x27: {  	[dreg:$0x3] =	wrdreg s2  }
0x28: {  	[dreg:$0x4] =	wrdreg $0x9  }
0x29: {  	_ =	task.clear_ibuf [dreg:s7], $0x5FFFF;
	_ =	strace $0x9000004C  }
0x2a: {  	s29 =	simm.s32 $0x9;
	_ =	strace $0x8000004E  }
0x2b: {  	_ =	swait.ge [sflag:s29], $0x1  }
0x2c: {  	[sflag:s29] =	ssyncadd.s32 $0xFFFFFFFF  }
0x2d: {  	_ =	strace $0x9000004E  }
0x2e: {  	_ =	sfence  }
0x2f: {  	s30 =	sld [smem:$0x0];
	_ =	sdelay $0x2  }
0x30: {  	s31 =	sshll.u32 s1, $0xD;
	s1 =	sshrl.u32 s1, $0x2  }
0x31: {  	s3 =	sand.u32 $0x4000, s31;
	s1 =	sadd.s32 s1, s30  }
0x32: {  	s0 =	sor.u32 s3, s0;
	s1 =	sshll.u32 s1, $0x11  }
0x33: {  	s0 =	sor.u32 s1, s0  }
0x34: {  	s0 =	sadd.s32 $0x8F2B, s0  }
0x35: {  	[sflag:s0] =	ssyncadd.remote.s32 $0x1  }
0x36: {  	_ =	sfence.sel $0xFFFF  }
0x37: {  	[dreg:$0x0] =	wrdreg $0xFFFFFFFF;
	(pc) =	sbr.abs _section_cstart, $3  }
0x38: {  	[dreg:$0x1] =	wrdreg $0xFFFFFFFF  }
0x39: {  	_ =	task.clear_ibuf [dreg:s7], $0x2FFFF;
	_ =	strace $0x9FFFFFFF  }
0x3a: {  	(tm) =	ssettm $0x7FFFFFFF  }
0x3b: {  	_ =	shalt  }
tec
execute0_lowered:
.L_overlay_start_1:
0x0: {  	(tag) =	ssettag $0x1  }
0x1: {  	s0 =	srdreg.scid;
	s6 =	rddreg [dreg:$0x0]  }
0x2: {  	s3 =	rddreg [dreg:$0x1];
	s1 =	sshll.u32 s0, $0x4  }
0x3: {  	s5 =	simm.s32 $0x1;
	s0 =	stileid.u32;
	s1 =	sand.u32 $0x10, s1  }
0x4: {  	s31 =	simm.s32 $0x2;
	s16 =	simm.s32 $0x0;
	s1 =	sor.u32 s0, s1  }
0x5: {  	s8 =	simm.s32 $0x8000;
	s18 =	simm.s32 $0x0;
	s2 =	sshll.u32 s1, $0x7  }
0x6: {  	s17 =	simm.s32 $0x0;
	s9 =	simm.s32 $0x0;
	s4 =	ssub.s32 $0x1000, s2  }
0x7: {  	s10 =	simm.s32 $0x0;
	s11 =	simm.s32 $0x0;
	s30 =	sand.u32 $0xF80, s4  }
0x8: {  	s12 =	simm.s32 $0x0;
	s13 =	simm.s32 $0x0;
	p0 =	sne.s32 s30, $0x0  }
.Ltmp0:
0x9: {  	s7 =	sshrl.u32 s4, $0xC;
	s5 =	simm.s32 @!p0 $0x0;
	(pc) =	sbr.rel .LBB1_1-.Ltmp0, $4  }
0xa: {  	s15 =	simm.s32 $0x0;
	s1 =	rddreg [dreg:$0x2];
	s5 =	sadd.s32 s5, s7  }
0xb: {  	_ =	strace $0x8000004D;
	s4 =	simm.s32 $0x1;
	s5 =	smul.u32 $0x64, s5  }
0xc: {  	s6 =	sadd.s32 $0x1600, s6;
	s14 =	smov.u32 s2;
	[sflag:s4] =	ssyncpa.u1 $0x0  }
0xd: {  	[sflag:s31] =	ssyncpa.u1 $0x0;
	p0 =	por $0x0, $0x0;
	s7 =	sor.u32 $0x1, s5  }
.LBB1_4:
0xe: {  	s23 =	sshra.s32 s23, $0x2;
	s30 =	sshll.u32 s9, $0xC  }
0xf: {  	p1 =	sgt.s32 s10, $0x31;
	s24 =	smov.u32 s10;
	s25 =	sshra.s32 s10, $0x1F  }
0x10: {  	s26 =	sshll.u32 s11, $0x3;
	s28 =	smov.u32 s11;
	s29 =	sshra.s32 s11, $0x1F  }
0x11: {  	s22 =	sadd.s32 s23, s22;
	s24 =	simm.s32 @!p1 $0x31;
	s25 =	sand.u32 s25, s10  }
0x12: {  	s23 =	sand.u32 $0xFFFF8000, s30;
	s27 =	sand.u32 $0xFFFFFC00, s26;
	p1 =	sgt.s32 s9, $0x48  }
0x13: {  	s31 =	sand.u32 s29, s11;
	s29 =	sshll.u32 s9, $0x7;
	s30 =	sshra.s32 s9, $0x1F  }
0x14: {  	[tilespmem:s21+$0x2040 ss:$0x81] =	vst.msk $0xffff, v4;
	s24 =	ssub.s32 s24, s25;
	s23 =	sadd.s32 s27, s23;
	s27 =	smov.u32 s9  }
0x15: {  	[tilespmem:s21+$0x2850 ss:$0x81] =	vst.msk $0xffff, v3;
	s29 =	sand.u32 $0x380, s29;
	s25 =	sadd.s32 $0xFFFFFFCF, s24;
	s27 =	simm.s32 @!p1 $0x48  }
0x16: {  	v5 =	vld [tilespmem:s20+$0xFFFFFFD0];
	[tilespmem:s21+$0x3060 ss:$0x81] =	vst.msk $0xffff, v2;
	p1 =	sgt.s32 s11, $0xF80;
	s23 =	sshrl.u32 s23, $0xC;
	s24 =	ssub.s32 $0x32, s24  }
0x17: {  	v58 =	vld [tilespmem:s20+$0xFFFFFFE0];
	[tilespmem:s21+$0x0 ss:$0x81] =	vst.msk $0xffff, v1;
	s28 =	simm.s32 @!p1 $0xF80;
	p1 =	sgt.s32 s25, $0x0;
	s21 =	smulhi.u32 $0x147AE15, s23  }
0x18: {  	v59 =	vld [tilespmem:s20+$0xFFFFFFF0];
	s25 =	ssub.s32 s28, s31;
	s28 =	sand.u32 s30, s9;
	s24 =	simm.s32 @p1 $0x0  }
0x19: {  	v60 =	vld [tilespmem:s20+$0x0];
	s27 =	ssub.s32 s27, s28;
	s31 =	sadd.s32 $0xFFFFF080, s25;
	s25 =	ssub.s32 $0x1000, s25  }
0x1a: {  	v61 =	vld [tilespmem:s20+$0x10];
	[tilespmem:s22+$0x3870 ss:$0x81] =	vst.msk $0xffff, v0;
	s21 =	smul.u32 $0xC8, s21;
	s28 =	sand.u32 $0x7, s11;
	p1 =	sgt.s32 s31, $0x7F  }
0x1b: {  	v62 =	vld [tilespmem:s20+$0x20];
	[tilespmem:s22+$0x810 ss:$0x81] =	vst.msk $0xffff, v5;
	s30 =	sadd.s32 $0xFFFFFFB8, s27;
	s31 =	sand.u32 $0x78, s11;
	s25 =	simm.s32 @p1 $0x0  }
0x1c: {  	v63 =	vld [tilespmem:s20+$0xFFFFFFC0];
	[tilespmem:s22+$0x1020 ss:$0x81] =	vst.msk $0xffff, v58;
	p1 =	sgt.s32 s30, $0x7F;
	s30 =	sand.u32 $0xC00, s26;
	s24 =	smul.u32 s25, s24  }
0x1d: {  	[tilespmem:s22+$0x1830 ss:$0x81] =	vst.msk $0xffff, v59;
	s26 =	ssub.s32 $0xC8, s27;
	s20 =	sor.u32 s31, s30;
	s31 =	smul.u32 $0x19000, s10  }
0x1e: {  	[tilespmem:s22+$0x2040 ss:$0x81] =	vst.msk $0xffff, v60;
	s21 =	ssub.s32 s23, s21;
	s26 =	simm.s32 @p1 $0x0;
	s20 =	sor.u32 s29, s20  }
0x1f: {  	[tilespmem:s22+$0x2850 ss:$0x81] =	vst.msk $0xffff, v61;
	s26 =	smul.u32 s26, s24;
	s20 =	sshrl.u32 s20, $0x3;
	s27 =	sadd.s32 s3, s31  }
0x20: {  	[tilespmem:s22+$0x3060 ss:$0x81] =	vst.msk $0xffff, v62;
	s21 =	sshll.u32 s21, $0x9;
	s29 =	sshll.u32 s28, $0x12;
	s20 =	sadd.s32 s20, s27  }
0x21: {  	[tilespmem:s22+$0x0 ss:$0x81] =	vst.msk $0xffff, v63;
	s31 =	sor.u32 $0x400, s29;
	s30 =	sand.u32 $0x3FFFFFFF, s26;
	s20 =	sadd.s32 s21, s20  }
0x22: {  	[hbm4b:s20+s31] =	stream.strided.scatter [tilespmem:s19], [sflag:$0x2], s30, s8, s31, $0x20;
	[tilespmem:$0x10100] =	vst v63  }
.LBB1_5:
0x23: {  	p1 =	slt.u32 s15, $0x2  }
0x24: {  	p2 =	sgt.s32 @!p1 s18, $0x31  }
0x25: {  	s19 =	smov.u32 s18;
	s20 =	sshra.s32 @!p1 s18, $0x1F;
	p2 =	por !p2, p1  }
0x26: {  	s18 =	sand.u32 @!p1 s20, s18;
	s19 =	simm.s32 @p2 $0x31  }
0x27: {  	p3 =	sgt.s32 @!p1 s16, $0x48;
	s18 =	ssub.s32 @!p1 s19, s18  }
0x28: {  	p4 =	sgt.s32 @!p1 s17, $0xF80;
	s21 =	sshra.s32 @!p1 s17, $0x1F;
	s19 =	sadd.s32 @!p1 $0xFFFFFFCF, s18  }
0x29: {  	s20 =	smov.u32 s16;
	p2 =	sgt.s32 @!p1 s19, $0x0;
	s19 =	sshra.s32 @!p1 s16, $0x1F  }
0x2a: {  	p4 =	por !p4, p1;
	s16 =	sand.u32 @!p1 s19, s16;
	s19 =	smov.u32 s17  }
0x2b: {  	p3 =	por !p3, p1;
	s17 =	sand.u32 @!p1 s21, s17;
	s19 =	simm.s32 @p4 $0xF80  }
0x2c: {  	s20 =	simm.s32 @p3 $0x48;
	s18 =	ssub.s32 @!p1 $0x32, s18;
	s17 =	ssub.s32 @!p1 s19, s17  }
0x2d: {  	p2 =	por !p2, p1;
	s16 =	ssub.s32 @!p1 s20, s16;
	s20 =	sadd.s32 @!p1 $0xFFFFF080, s17  }
0x2e: {  	s18 =	simm.s32 @!p2 $0x0;
	p3 =	sgt.s32 @!p1 s20, $0x7F  }
0x2f: {  	s19 =	sadd.s32 @!p1 $0xFFFFFFB8, s16;
	s17 =	ssub.s32 @!p1 $0x1000, s17;
	p3 =	por !p3, p1  }
0x30: {  	p2 =	sgt.s32 @!p1 s19, $0x7F;
	s19 =	sadd.s32 $0x80, s12;
	s17 =	simm.s32 @!p3 $0x0  }
0x31: {  	p3 =	sgt.s32 s19, $0xC7;
	s17 =	smul.u32 @!p1 s17, s18;
	s18 =	simm.s32 $0x1  }
0x32: {  	s16 =	ssub.s32 @!p1 $0xC8, s16;
	p2 =	por !p2, p1;
	s18 =	simm.s32 @!p3 $0x0  }
0x33: {  	s21 =	smov.u32 s14;
	s16 =	simm.s32 @!p2 $0x0;
	s20 =	sadd.s32 s18, s13  }
0x34: {  	s16 =	smul.u32 @!p1 s16, s17;
	s17 =	sadd.s32 $0x1000, s14;
	p2 =	sgt.s32 s20, $0x31  }
0x35: {  	p0 =	por !p0, !p0;
	s22 =	simm.s32 @!p1 $0x2;
	s21 =	smov.u32 @p2 s17  }
0x36: {  	s19 =	simm.s32 @p3 $0x0;
	s20 =	simm.s32 @p2 $0x0;
	p2 =	sgt.s32 s21, $0xFFF  }
0x37: {  	s18 =	smov.u32 s10;
	s21 =	smov.u32 @p2 s2;
	p2 =	sne.s32 s15, s7  }
.Ltmp1:
0x38: {  	s10 =	smov.u32 s13;
	s16 =	sand.u32 @!p1 $0x3FFFFFFF, s16;
	(pc) =	sbr.rel @!p2 .LBB1_6-.Ltmp1, $4  }
0x39: {  	s17 =	smov.u32 s11;
	s11 =	smov.u32 s14;
	_ =	swait.ge @!p1 [sflag:s22], s16  }
0x3a: {  	s23 =	ssub.s32 @!p1 $0x0, s16;
	s16 =	smov.u32 s9;
	s9 =	smov.u32 s12  }
0x3b: {  	s12 =	smov.u32 s19;
	s13 =	smov.u32 s20;
	[sflag:s22] =	ssyncset.done @!p1 $0x0  }
0x3c: {  	s15 =	sadd.s32 $0x1, s15;
	[sflag:s22] =	ssyncadd.s32 @!p1 s23;
	s14 =	smov.u32 s21  }
.LBB1_1:
0x3d: {  	p1 =	sge.u32 s15, s5  }
0x3e: {  	s19 =	sshll.u32 @!p1 s13, $0x8;
	s20 =	sshll.u32 @!p1 s12, $0x3  }
0x3f: {  	s21 =	sshll.u32 @!p1 s13, $0x7;
	s19 =	sand.u32 @!p1 $0xFFFFF800, s19;
	s20 =	sand.u32 @!p1 $0xFFFFFC00, s20  }
0x40: {  	s19 =	sadd.s32 @!p1 s19, s20;
	s20 =	sand.u32 @!p1 $0x300, s21  }
0x41: {  	s19 =	sor.u32 @!p1 s20, s19  }
0x42: {  	s19 =	sshrl.u32 @!p1 s19, $0x8  }
0x43: {  	s31 =	sadd.s32 $0xFFFFFFFF, s15;
	s20 =	smulhi.u32 @!p1 $0x4924925, s19  }
0x44: {  	s22 =	sxor.u32 @!p1 $0xFFFFFFFF, s15;
	s23 =	sand.u32 @!p1 $0x78, s12;
	s24 =	smul.u32 @!p1 $0x700, s14  }
0x45: {  	s22 =	sshll.u32 @!p1 s22, $0xE;
	s21 =	sand.u32 @!p1 $0x80, s21;
	s20 =	smul.u32 @!p1 $0x38, s20  }
0x46: {  	s22 =	sand.u32 @!p1 $0x4000, s22;
	s21 =	sor.u32 @!p1 s23, s21;
	s23 =	sand.u32 @!p1 $0x7, s12  }
0x47: {  	s19 =	ssub.s32 @!p1 s19, s20;
	s20 =	sshrl.u32 @!p1 s21, $0x3;
	s21 =	sadd.s32 @!p1 s6, s24  }
0x48: {  	s19 =	sshll.u32 @!p1 s19, $0x5;
	s20 =	sadd.s32 @!p1 s20, s21;
	s21 =	sshll.u32 @!p1 s23, $0x12  }
0x49: {  	s19 =	sadd.s32 @!p1 s19, s20;
	s20 =	sor.u32 @!p1 $0x80, s21;
	s21 =	simm.s32 @!p1 $0x3800  }
0x4a: {  	[tilespmem:s22], [sflag:$0x1] =	stream.strided.gather @!p1 [hbm4b:s19+s20], $0x4000, s21, s20, $0x38;
	[tilespmem:$0x10100] =	vst v63  }
0x4b: {  	p1 =	sge.u32 s31, s5  }
.Ltmp2:
0x4c: {  	_ = 	snop;
	(pc) =	sbr.rel @p1 .LBB1_5-.Ltmp2, $1  }
0x4d: {  	_ =	sdelay $0x3  }
0x4e: {  	s19 =	simm.s32 $0x1  }
0x4f: {  	_ =	swait.ge [sflag:s4], $0x4000;
	s19 =	simm.s32 @!p0 $0x0  }
0x50: {  	[sflag:s4] =	ssyncset.done $0x0;
	s20 =	sshll.u32 s19, $0xE  }
0x51: {  	[sflag:s4] =	ssyncadd.s32 $0xFFFFC000;
	s20 =	sor.u32 $0x40, s20  }
0x52: {  	s19 =	smul.u32 $0x10200, s19;
	v0 =	vld [tilespmem:s20+$0x30]  }
0x53: {  	v1 =	vld [tilespmem:s20+$0xFFFFFFD0]  }
0x54: {  	s19 =	sshrl.u32 s19, $0x2;
	v5 =	vld [tilespmem:s20+$0xFFFFFFE0]  }
0x55: {  	v6 =	vld [tilespmem:s20+$0xFFFFFFF0];
	s22 =	sor.u32 $0x8000, s19  }
0x56: {  	s31 =	sand.u32 $0x1, s15;
	v4 =	vld [tilespmem:s20+$0x0];
	s21 =	sadd.s32 $0x0, s22  }
0x57: {  	v3 =	vld [tilespmem:s20+$0x10];
	s19 =	smul.u32 $0x10200, s31;
	[tilespmem:s21+$0x3870 ss:$0x81] =	vst.msk $0xffff, v0  }
0x58: {  	v2 =	vld [tilespmem:s20+$0x20];
	[tilespmem:s21+$0x810 ss:$0x81] =	vst.msk $0xffff, v1  }
0x59: {  	s19 =	sshrl.u32 s19, $0x2;
	v1 =	vld [tilespmem:s20+$0xFFFFFFC0];
	[tilespmem:s21+$0x1020 ss:$0x81] =	vst.msk $0xffff, v5;
	s20 =	sadd.s32 $0x80, s20  }
0x5a: {  	s23 =	simm.s32 $0x4;
	s24 =	simm.s32 $0x8;
	s19 =	sor.u32 $0x8000, s19;
	[tilespmem:s21+$0x1830 ss:$0x81] =	vst.msk $0xffff, v6;
	v0 =	vld [tilespmem:s20+$0x30]  }
.LBB1_3:
0x5b: {  	p1 =	sne.s32 s24, $0x1FC;
	v5 =	vld [tilespmem:s20+$0xFFFFFFD0];
	[tilespmem:s21+$0x2040 ss:$0x81] =	vst.msk $0xffff, v4  }
0x5c: {  	v6 =	vld [tilespmem:s20+$0xFFFFFFE0];
	[tilespmem:s21+$0x2850 ss:$0x81] =	vst.msk $0xffff, v3  }
0x5d: {  	s25 =	sshra.s32 s23, $0x2;
	s23 =	smov.u32 s24;
	v7 =	vld [tilespmem:s20+$0xFFFFFFF0];
	[tilespmem:s21+$0x3060 ss:$0x81] =	vst.msk $0xffff, v2  }
.Ltmp3:
0x5e: {  	v4 =	vld [tilespmem:s20+$0x0];
	[tilespmem:s21+$0x0 ss:$0x81] =	vst.msk $0xffff, v1;
	s21 =	sadd.s32 s25, s22;
	(pc) =	sbr.rel @p1 .LBB1_3-.Ltmp3, $4  }
0x5f: {  	v3 =	vld [tilespmem:s20+$0x10];
	[tilespmem:s21+$0x3870 ss:$0x81] =	vst.msk $0xffff, v0  }
0x60: {  	[tilespmem:s21+$0x810 ss:$0x81] =	vst.msk $0xffff, v5;
	v2 =	vld [tilespmem:s20+$0x20]  }
0x61: {  	v1 =	vld [tilespmem:s20+$0xFFFFFFC0];
	[tilespmem:s21+$0x1020 ss:$0x81] =	vst.msk $0xffff, v6;
	s20 =	sadd.s32 $0x80, s20  }
0x62: {  	s24 =	sadd.s32 $0x4, s24;
	v0 =	vld [tilespmem:s20+$0x30];
	[tilespmem:s21+$0x1830 ss:$0x81] =	vst.msk $0xffff, v7  }
.Ltmp4:
0x63: {  	_ = 	snop;
	(pc) =	sbr.rel .LBB1_4-.Ltmp4, $1  }
0x64: {  	_ =	sdelay $0x3  }
.LBB1_6:
0x65: {  	_ =	sfence.sel $0x180000  }
0x66: {  	s2 =	simm.s32 $0x1;
	[bflag:$0x0] =	sbarrier.arrive $0xFFFF  }
0x67: {  	s31 =	simm.s32 $0x2;
	[sflag:s2] =	ssyncpa.u1 $0x1  }
0x68: {  	[sflag:s31] =	ssyncpa.u1 $0x1  }
0x69: {  	p0 =	sne.s32 s0, $0x0;
	_ =	strace $0x9000004D  }
0x6a: {  	s0 =	sadd.s32 @!p0 $0x100000, s1;
	[bflag:$0x2] =	sbarrier.arrive $0xFFFF  }
0x6b: {  	[sflag:s0] =	ssyncadd.tile.s32 @!p0 $0x1;
	_ =	shalt  }
.Lfunc_end1:
_tile_overlayer_lowered:
.L_overlay_start_2:
0x6c: {  	(tag) =	ssettag $0x2  }
0x6d: {  	s0 =	rddreg [dreg:$0x0];
	s2 =	stileid.u32  }
0x6e: {  	s1 =	rddreg [dreg:$0x1];
	p0 =	sne.s32 s2, $0x0  }
0x6f: {  	s3 =	rddreg [dreg:$0x2];
	[bflag:$0x3] =	sbarrier.arrive $0xFFFF;
	s2 =	simm.s32 @!p0 $0x1C01  }
0x70: {  	[timem:s3], [sflag:s2] =	dma.local @!p0 [hbm:s0], s1  }
0x71: {  	s0 =	simm.s32 @!p0 $0x1  }
0x72: {  	_ =	swait.ge @!p0 [sflag:s0], s1  }
0x73: {  	s1 =	ssub.s32 @!p0 $0x0, s1;
	[sflag:s0] =	ssyncset.done @!p0 $0x0  }
0x74: {  	[sflag:s0] =	ssyncadd.s32 @!p0 s1  }
0x75: {  	[bflag:$0x3] =	sbarrier.arrive $0xFFFF  }
0x76: {  	_ =	shalt  }

</sc_bundles>
